<compile_context>
chip_gen: v7x
topology: tpu7x:2x2x1
jax: 0.10.2.dev20260603
libtpu: 0.0.44.dev20260713+nightly
codegen_flags: <defaults>
</compile_context>

<pallas_src>
import functools

import jax
import jax.numpy as jnp
from jax import lax
from jax.experimental import pallas as pl
from jax.experimental.pallas import tpu as pltpu
from jax.experimental.pallas import tpu_sc as plsc

N_NODES = 10000
N_EDGES = 160000
D_IN = 500
D_HID = 32

NCORES = 2
NSUB = 16
NW = NCORES * NSUB
EW = N_EDGES // NW
MB = 1000
NMB = EW // MB
NPAD = 10112
RPT = NPAD // NSUB


def _make_edge_pass(d):
    mesh = plsc.VectorSubcoreMesh(core_axis_name="c", subcore_axis_name="s")

    @functools.partial(
        pl.kernel,
        out_type=jax.ShapeDtypeStruct((NCORES, NPAD, d), jnp.bfloat16),
        mesh=mesh,
        scratch_types=[
            pltpu.VMEM((EW,), jnp.int32),
            pltpu.VMEM((EW,), jnp.int32),
            pltpu.VMEM((NMB, MB, d), jnp.bfloat16),
            pltpu.VMEM_SHARED((NPAD, d), jnp.bfloat16),
            pltpu.SemaphoreType.DMA,
            pltpu.SemaphoreType.DMA,
        ],
        compiler_params=pltpu.CompilerParams(use_tc_tiling_on_sc=False),
    )
    def k(g_hbm, src_hbm, dst_hbm, zeros_hbm, out_hbm, src_v, dst_v,
          bufs, acc, gsem, ssem):
        cid = lax.axis_index("c")
        sid = lax.axis_index("s")
        wid = cid * NSUB + sid
        pltpu.sync_copy(zeros_hbm.at[pl.ds(pl.multiple_of(sid * RPT, 8), RPT)],
                        acc.at[pl.ds(pl.multiple_of(sid * RPT, 8), RPT)])
        pltpu.sync_copy(src_hbm.at[pl.ds(wid * EW, EW)], src_v)
        pltpu.sync_copy(dst_hbm.at[pl.ds(wid * EW, EW)], dst_v)
        plsc.subcore_barrier()

        for m in range(NMB):
            pltpu.async_copy(g_hbm.at[src_v.at[pl.ds(m * MB, MB)]],
                             bufs.at[m], gsem)
        for m in range(NMB):
            pltpu.make_async_copy(g_hbm.at[src_v.at[pl.ds(m * MB, MB)]],
                                  bufs.at[m], gsem).wait()
            pltpu.async_copy(bufs.at[m], acc.at[dst_v.at[pl.ds(m * MB, MB)]],
                             ssem, add=True)
        for m in range(NMB):
            pltpu.make_async_copy(bufs.at[m],
                                  acc.at[dst_v.at[pl.ds(m * MB, MB)]],
                                  ssem).wait()
        plsc.subcore_barrier()
        pltpu.sync_copy(acc.at[pl.ds(pl.multiple_of(sid * RPT, 8), RPT)],
                        out_hbm.at[cid].at[pl.ds(pl.multiple_of(sid * RPT, 8), RPT)])

    return k


def _make_deg_pass(d):
    mesh = plsc.VectorSubcoreMesh(core_axis_name="c", subcore_axis_name="s")

    @functools.partial(
        pl.kernel,
        out_type=jax.ShapeDtypeStruct((NCORES, NPAD, d), jnp.float32),
        mesh=mesh,
        scratch_types=[
            pltpu.VMEM((EW,), jnp.int32),
            pltpu.VMEM((MB, d), jnp.float32),
            pltpu.VMEM_SHARED((NPAD, d), jnp.float32),
            pltpu.SemaphoreType.DMA,
        ],
        compiler_params=pltpu.CompilerParams(use_tc_tiling_on_sc=False),
    )
    def k(ones_hbm, dst_hbm, zeros_hbm, out_hbm, dst_v, ones_v, acc, sem):
        cid = lax.axis_index("c")
        sid = lax.axis_index("s")
        wid = cid * NSUB + sid
        pltpu.sync_copy(zeros_hbm.at[pl.ds(pl.multiple_of(sid * RPT, 8), RPT)],
                        acc.at[pl.ds(pl.multiple_of(sid * RPT, 8), RPT)])
        pltpu.sync_copy(dst_hbm.at[pl.ds(wid * EW, EW)], dst_v)
        pltpu.sync_copy(ones_hbm, ones_v)
        plsc.subcore_barrier()

        for m in range(NMB):
            pltpu.async_copy(ones_v, acc.at[dst_v.at[pl.ds(m * MB, MB)]],
                             sem, add=True)
        for m in range(NMB):
            pltpu.make_async_copy(ones_v,
                                  acc.at[dst_v.at[pl.ds(m * MB, MB)]],
                                  sem).wait()
        plsc.subcore_barrier()
        pltpu.sync_copy(acc.at[pl.ds(pl.multiple_of(sid * RPT, 8), RPT)],
                        out_hbm.at[cid].at[pl.ds(pl.multiple_of(sid * RPT, 8), RPT)])

    return k


_edge_pass_32 = _make_edge_pass(D_HID)
_deg_pass = _make_deg_pass(8)



def _mm1_body(x_ref, w_ref, h_ref):
    h_ref[...] = jnp.dot(x_ref[...], w_ref[...],
                         preferred_element_type=jnp.float32)


def _mm1(x, w1):
    bm = 1000
    return pl.pallas_call(
        _mm1_body,
        grid=(N_NODES // bm,),
        in_specs=[
            pl.BlockSpec((bm, D_IN), lambda i: (i, 0)),
            pl.BlockSpec((D_IN, D_HID), lambda i: (0, 0)),
        ],
        out_specs=pl.BlockSpec((bm, D_HID), lambda i: (i, 0)),
        out_shape=jax.ShapeDtypeStruct((N_NODES, D_HID), jnp.float32),
    )(x, w1)


def _scale_body(h_ref, degp_ref, g_ref, gb_ref, dinv_ref):
    dp = degp_ref[...]
    deg = dp[0, :N_NODES, 0:1] + dp[1, :N_NODES, 0:1] + 1.0
    dinv = 1.0 / jnp.sqrt(deg)
    dinv_ref[...] = dinv
    g = h_ref[...] * dinv
    g_ref[...] = g
    gb_ref[...] = g.astype(jnp.bfloat16)


def _scale(h1, degp):
    return pl.pallas_call(
        _scale_body,
        in_specs=[
            pl.BlockSpec((N_NODES, D_HID), lambda: (0, 0)),
            pl.BlockSpec((NCORES, NPAD, 8), lambda: (0, 0, 0)),
        ],
        out_specs=[
            pl.BlockSpec((N_NODES, D_HID), lambda: (0, 0)),
            pl.BlockSpec((N_NODES, D_HID), lambda: (0, 0)),
            pl.BlockSpec((N_NODES, 1), lambda: (0, 0)),
        ],
        out_shape=[
            jax.ShapeDtypeStruct((N_NODES, D_HID), jnp.float32),
            jax.ShapeDtypeStruct((N_NODES, D_HID), jnp.bfloat16),
            jax.ShapeDtypeStruct((N_NODES, 1), jnp.float32),
        ],
    )(h1, degp)


def _mid_body(part_ref, g1_ref, dinv_ref, b1_ref, f_ref, fb_ref):
    p = part_ref[...].astype(jnp.float32)
    dinv = dinv_ref[...]
    s1 = g1_ref[...] + p[0, :N_NODES, :] + p[1, :N_NODES, :]
    e = jnp.tanh(s1 * dinv + b1_ref[...])
    f = e * dinv
    f_ref[...] = f
    fb_ref[...] = f.astype(jnp.bfloat16)


def _mid(part1, g1, dinv, b1):
    return pl.pallas_call(
        _mid_body,
        in_specs=[
            pl.BlockSpec((NCORES, NPAD, D_HID), lambda: (0, 0, 0)),
            pl.BlockSpec((N_NODES, D_HID), lambda: (0, 0)),
            pl.BlockSpec((N_NODES, 1), lambda: (0, 0)),
            pl.BlockSpec((1, D_HID), lambda: (0, 0)),
        ],
        out_specs=[
            pl.BlockSpec((N_NODES, D_HID), lambda: (0, 0)),
            pl.BlockSpec((N_NODES, D_HID), lambda: (0, 0)),
        ],
        out_shape=[
            jax.ShapeDtypeStruct((N_NODES, D_HID), jnp.float32),
            jax.ShapeDtypeStruct((N_NODES, D_HID), jnp.bfloat16),
        ],
    )(part1, g1, dinv, b1)


def _fin_body(part_ref, f_ref, dinv_ref, wcat_ref, bcat_ref, mu_ref, ls_ref):
    p = part_ref[...].astype(jnp.float32)
    s2 = f_ref[...] + p[0, :N_NODES, :] + p[1, :N_NODES, :]
    h2 = jnp.dot(s2, wcat_ref[...], preferred_element_type=jnp.float32)
    o = h2 * dinv_ref[...] + bcat_ref[...]
    mu_ref[...] = o[:, :D_HID]
    ls_ref[...] = o[:, D_HID:]


def _fin(part2, f, dinv, wcat, bcat):
    return pl.pallas_call(
        _fin_body,
        in_specs=[
            pl.BlockSpec((NCORES, NPAD, D_HID), lambda: (0, 0, 0)),
            pl.BlockSpec((N_NODES, D_HID), lambda: (0, 0)),
            pl.BlockSpec((N_NODES, 1), lambda: (0, 0)),
            pl.BlockSpec((D_HID, 2 * D_HID), lambda: (0, 0)),
            pl.BlockSpec((1, 2 * D_HID), lambda: (0, 0)),
        ],
        out_specs=[
            pl.BlockSpec((N_NODES, D_HID), lambda: (0, 0)),
            pl.BlockSpec((N_NODES, D_HID), lambda: (0, 0)),
        ],
        out_shape=[
            jax.ShapeDtypeStruct((N_NODES, D_HID), jnp.float32),
            jax.ShapeDtypeStruct((N_NODES, D_HID), jnp.float32),
        ],
    )(part2, f, dinv, wcat, bcat)


def kernel(x, edge_index, W1, b1, Wmu, bmu, Wls, bls):
    ei = edge_index.astype(jnp.int32)
    src1 = ei[0]
    dst1 = ei[1]

    z8 = jnp.zeros((NPAD, 8), jnp.float32)
    z32 = jnp.zeros((NPAD, D_HID), jnp.bfloat16)
    ones8 = jnp.ones((MB, 8), jnp.float32)
    wcat = jnp.concatenate([Wmu, Wls], axis=1)
    bcat = jnp.concatenate([bmu, bls]).reshape(1, 2 * D_HID)

    h1 = _mm1(x, W1)
    degp = _deg_pass(ones8, dst1, z8)
    g1, g1b, dinv = _scale(h1, degp)
    part1 = _edge_pass_32(g1b, src1, dst1, z32)
    f, fb = _mid(part1, g1, dinv, b1.reshape(1, D_HID))
    part2 = _edge_pass_32(fb, src1, dst1, z32)
    mu, ls = _fin(part2, f, dinv, wcat, bcat)
    return mu, ls

# --- scband reference (transcript-rebuilt; emitter-appended) ---
"""Pipeline reference for scband-net-90074054132245 (READ-ONLY COPY).

The authoritative reference and input builder live on the scoring server;
editing this copy changes nothing except your own understanding.
"""

import jax, jax.numpy as jnp
import numpy as np

N_NODES = 10000
N_EDGES = 160000
D_IN = 500
D_HID = 32


def gcn_conv(x, edge_index, W, b):
    N = x.shape[0]
    src = edge_index[0]
    dst = edge_index[1]
    # add self loops (GCNConv default add_self_loops=True)
    loop = jnp.arange(N, dtype=edge_index.dtype)
    src = jnp.concatenate([src, loop])
    dst = jnp.concatenate([dst, loop])
    # linear transform first (PyG GCNConv applies lin before propagate)
    h = x @ W
    # symmetric normalization: deg computed on target with unit edge weights
    deg = jnp.zeros((N,), dtype=x.dtype).at[dst].add(1.0)
    deg_inv_sqrt = jnp.where(deg > 0, deg ** -0.5, 0.0)
    norm = deg_inv_sqrt[src] * deg_inv_sqrt[dst]
    msg = h[src] * norm[:, None]
    out = jnp.zeros((N, W.shape[1]), dtype=x.dtype).at[dst].add(msg)
    return out + b


def setup_inputs(seed: int = 0) -> dict:
    key = jax.random.key(seed)
    k_x, k_ei, k_w1, k_wmu, k_wls = jax.random.split(key, 5)
    x = jax.random.normal(k_x, (N_NODES, D_IN), dtype=jnp.float32)
    edge_index = jax.random.randint(k_ei, (2, N_EDGES), 0, N_NODES, dtype=jnp.int64)
    s1 = (2.0 / (D_IN + D_HID)) ** 0.5
    s2 = (2.0 / (D_HID + D_HID)) ** 0.5
    W1 = jax.random.normal(k_w1, (D_IN, D_HID), dtype=jnp.float32) * s1
    b1 = jnp.zeros((D_HID,), dtype=jnp.float32)
    Wmu = jax.random.normal(k_wmu, (D_HID, D_HID), dtype=jnp.float32) * s2
    bmu = jnp.zeros((D_HID,), dtype=jnp.float32)
    Wls = jax.random.normal(k_wls, (D_HID, D_HID), dtype=jnp.float32) * s2
    bls = jnp.zeros((D_HID,), dtype=jnp.float32)
    return {"x": x, "edge_index": edge_index, "W1": W1, "b1": b1,
            "Wmu": Wmu, "bmu": bmu, "Wls": Wls, "bls": bls}


def reference(x, edge_index, W1, b1, Wmu, bmu, Wls, bls):
    e = jnp.tanh(gcn_conv(x, edge_index, W1, b1))
    mu = gcn_conv(e, edge_index, Wmu, bmu)
    logstd = gcn_conv(e, edge_index, Wls, bls)
    return (mu, logstd)

if __name__ == "__main__":
    import jax
    _d = setup_inputs()
    print(jax.jit(kernel)(*tuple(_d.values())))

</pallas_src>

<mosaic_0001>
#map = affine_map<(d0, d1) -> (0, 0)>
#map1 = affine_map<(d0, d1) -> (0)>
#map2 = affine_map<(d0, d1) -> (0, 0, 0)>
module attributes {stable_mosaic.version = 14 : i64} {
  func.func @k(%arg0: i32, %arg1: i32, %arg2: memref<10000x32xbf16, #tpu.memory_space<hbm>>, %arg3: memref<160000xi32, #tpu.memory_space<hbm>>, %arg4: memref<160000xi32, #tpu.memory_space<hbm>>, %arg5: memref<10112x32xbf16, #tpu.memory_space<hbm>>, %arg6: memref<2x10112x32xbf16, #tpu.memory_space<hbm>>, %arg7: memref<5000xi32, #tpu.memory_space<vmem>>, %arg8: memref<5000xi32, #tpu.memory_space<vmem>>, %arg9: memref<5x1000x32xbf16, #tpu.memory_space<vmem>>, %arg10: memref<10112x32xbf16, #tpu.memory_space<vmem_shared>>, %arg11: memref<!tpu.dma_semaphore, #tpu.memory_space<semaphore_mem>>, %arg12: memref<!tpu.dma_semaphore, #tpu.memory_space<semaphore_mem>>) attributes {dimension_semantics = [#tpu.dimension_semantics<core_parallel>, #tpu.dimension_semantics<subcore_parallel>], iteration_bounds = array<i64: 2, 16>, scalar_prefetch = 0 : i64, scratch_operands = 6 : i64, tpu.core_type = #tpu.core_type<sc_vector_subcore>, window_params = [{transform_indices = #map}, {transform_indices = #map1}, {transform_indices = #map1}, {transform_indices = #map}, {transform_indices = #map2}]} {
    %mul3A = arith.constant 16 : i32
    %mul3A_0 = arith.muli %arg0, %mul3A : i32
    %add3A = arith.addi %mul3A_0, %arg1 : i32
    %mul3A_1 = arith.constant 632 : i32
    %mul3A_2 = arith.muli %arg1, %mul3A_1 : i32
    %multiple_of3A = tpu.assume_multiple %mul3A_2, 8 : i32
    %mul3A_3 = arith.constant 632 : i32
    %mul3A_4 = arith.muli %arg1, %mul3A_3 : i32
    %multiple_of3A_5 = tpu.assume_multiple %mul3A_4, 8 : i32
    "tpu.region"() ({
      %run_scoped3A = tpu.sem_alloc : memref<!tpu.dma_semaphore, #tpu.memory_space<semaphore_mem>>
      %dma_start3A_215 = arith.constant 0 : i32
      %dma_start3A_216 = tpu.memref_slice %arg10[%multiple_of3A_5, %dma_start3A_215] : memref<10112x32xbf16, #tpu.memory_space<vmem_shared>> -> memref<632x32xbf16, #tpu.memory_space<vmem_shared>>
      %dma_start3A_217 = arith.constant 0 : i32
      %dma_start3A_218 = tpu.memref_slice %arg5[%multiple_of3A, %dma_start3A_217] : memref<10112x32xbf16, #tpu.memory_space<hbm>> -> memref<632x32xbf16, #tpu.memory_space<hbm>>
      tpu.enqueue_dma source(%dma_start3A_218 : memref<632x32xbf16, #tpu.memory_space<hbm>>) target(%dma_start3A_216 : memref<632x32xbf16, #tpu.memory_space<vmem_shared>>) target_semaphore(%run_scoped3A : memref<!tpu.dma_semaphore, #tpu.memory_space<semaphore_mem>>)
      %dma_wait3A_219 = arith.constant 0 : i32
      %dma_wait3A_220 = tpu.memref_slice %arg10[%multiple_of3A_5, %dma_wait3A_219] : memref<10112x32xbf16, #tpu.memory_space<vmem_shared>> -> memref<632x32xbf16, #tpu.memory_space<vmem_shared>>
      %dma_wait3A_221 = arith.constant 0 : i32
      %dma_wait3A_222 = tpu.memref_slice %arg5[%multiple_of3A, %dma_wait3A_221] : memref<10112x32xbf16, #tpu.memory_space<hbm>> -> memref<632x32xbf16, #tpu.memory_space<hbm>>
      tpu.wait_dma2 semaphore(%run_scoped3A : memref<!tpu.dma_semaphore, #tpu.memory_space<semaphore_mem>>) src(%dma_wait3A_222 : memref<632x32xbf16, #tpu.memory_space<hbm>>) dst(%dma_wait3A_220 : memref<632x32xbf16, #tpu.memory_space<vmem_shared>>)
      tpu.yield
    }) : () -> ()
    %mul3A_6 = arith.constant 5000 : i32
    %mul3A_7 = arith.muli %add3A, %mul3A_6 : i32
    "tpu.region"() ({
      %run_scoped3A = tpu.sem_alloc : memref<!tpu.dma_semaphore, #tpu.memory_space<semaphore_mem>>
      %dma_start3A_215 = tpu.memref_slice %arg3[%mul3A_7] : memref<160000xi32, #tpu.memory_space<hbm>> -> memref<5000xi32, #tpu.memory_space<hbm>>
      %dma_start3A_216 = tpu.memref_slice %arg3[%mul3A_7] : memref<160000xi32, #tpu.memory_space<hbm>> -> memref<5000xi32, #tpu.memory_space<hbm>>
      tpu.enqueue_dma source(%dma_start3A_216 : memref<5000xi32, #tpu.memory_space<hbm>>) target(%arg7 : memref<5000xi32, #tpu.memory_space<vmem>>) target_semaphore(%run_scoped3A : memref<!tpu.dma_semaphore, #tpu.memory_space<semaphore_mem>>)
      %dma_wait3A_217 = tpu.memref_slice %arg3[%mul3A_7] : memref<160000xi32, #tpu.memory_space<hbm>> -> memref<5000xi32, #tpu.memory_space<hbm>>
      %dma_wait3A_218 = tpu.memref_slice %arg3[%mul3A_7] : memref<160000xi32, #tpu.memory_space<hbm>> -> memref<5000xi32, #tpu.memory_space<hbm>>
      tpu.wait_dma2 semaphore(%run_scoped3A : memref<!tpu.dma_semaphore, #tpu.memory_space<semaphore_mem>>) src(%dma_wait3A_218 : memref<5000xi32, #tpu.memory_space<hbm>>) dst(%arg7 : memref<5000xi32, #tpu.memory_space<vmem>>)
      tpu.yield
    }) : () -> ()
    %mul3A_8 = arith.constant 5000 : i32
    %mul3A_9 = arith.muli %add3A, %mul3A_8 : i32
    "tpu.region"() ({
      %run_scoped3A = tpu.sem_alloc : memref<!tpu.dma_semaphore, #tpu.memory_space<semaphore_mem>>
      %dma_start3A_215 = tpu.memref_slice %arg4[%mul3A_9] : memref<160000xi32, #tpu.memory_space<hbm>> -> memref<5000xi32, #tpu.memory_space<hbm>>
      %dma_start3A_216 = tpu.memref_slice %arg4[%mul3A_9] : memref<160000xi32, #tpu.memory_space<hbm>> -> memref<5000xi32, #tpu.memory_space<hbm>>
      tpu.enqueue_dma source(%dma_start3A_216 : memref<5000xi32, #tpu.memory_space<hbm>>) target(%arg8 : memref<5000xi32, #tpu.memory_space<vmem>>) target_semaphore(%run_scoped3A : memref<!tpu.dma_semaphore, #tpu.memory_space<semaphore_mem>>)
      %dma_wait3A_217 = tpu.memref_slice %arg4[%mul3A_9] : memref<160000xi32, #tpu.memory_space<hbm>> -> memref<5000xi32, #tpu.memory_space<hbm>>
      %dma_wait3A_218 = tpu.memref_slice %arg4[%mul3A_9] : memref<160000xi32, #tpu.memory_space<hbm>> -> memref<5000xi32, #tpu.memory_space<hbm>>
      tpu.wait_dma2 semaphore(%run_scoped3A : memref<!tpu.dma_semaphore, #tpu.memory_space<semaphore_mem>>) src(%dma_wait3A_218 : memref<5000xi32, #tpu.memory_space<hbm>>) dst(%arg8 : memref<5000xi32, #tpu.memory_space<vmem>>)
      tpu.yield
    }) : () -> ()
    %barrier3A = arith.constant 0 : index
    tpu.barrier barrier_id(%barrier3A)
    %dma_start3A = arith.constant 0 : i32
    %dma_start3A_10 = arith.constant 0 : i32
    %dma_start3A_11 = arith.constant 0 : i32
    %dma_start3A_12 = tpu.memref_slice %arg9[%dma_start3A, %dma_start3A_10, %dma_start3A_11] : memref<5x1000x32xbf16, #tpu.memory_space<vmem>> -> memref<1x1000x32xbf16, #tpu.memory_space<vmem>>
    %dma_start3A_13 = tpu.memref_squeeze %dma_start3A_12 : memref<1x1000x32xbf16, #tpu.memory_space<vmem>> -> memref<1000x32xbf16, #tpu.memory_space<vmem>>
    %dma_start3A_14 = arith.constant 0 : i32
    %dma_start3A_15 = tpu.memref_slice %arg7[%dma_start3A_14] : memref<5000xi32, #tpu.memory_space<vmem>> -> memref<1000xi32, #tpu.memory_space<vmem>>
    %dma_start3A_16 = arith.constant 0 : i32
    %dma_start3A_17 = arith.constant 0 : i32
    %dma_start3A_18 = tpu.memref_slice %arg2[%dma_start3A_16, %dma_start3A_17] : memref<10000x32xbf16, #tpu.memory_space<hbm>> -> memref<10000x32xbf16, #tpu.memory_space<hbm>>
    tpu.enqueue_indirect_dma source(%dma_start3A_18 : memref<10000x32xbf16, #tpu.memory_space<hbm>>) target(%dma_start3A_13 : memref<1000x32xbf16, #tpu.memory_space<vmem>>) offsets(%dma_start3A_15 : memref<1000xi32, #tpu.memory_space<vmem>>) semaphore(%arg11 : memref<!tpu.dma_semaphore, #tpu.memory_space<semaphore_mem>>)
    %dma_start3A_19 = arith.constant 1 : i32
    %dma_start3A_20 = arith.constant 0 : i32
    %dma_start3A_21 = arith.constant 0 : i32
    %dma_start3A_22 = tpu.memref_slice %arg9[%dma_start3A_19, %dma_start3A_20, %dma_start3A_21] : memref<5x1000x32xbf16, #tpu.memory_space<vmem>> -> memref<1x1000x32xbf16, #tpu.memory_space<vmem>>
    %dma_start3A_23 = tpu.memref_squeeze %dma_start3A_22 : memref<1x1000x32xbf16, #tpu.memory_space<vmem>> -> memref<1000x32xbf16, #tpu.memory_space<vmem>>
    %dma_start3A_24 = arith.constant 1000 : i32
    %dma_start3A_25 = tpu.memref_slice %arg7[%dma_start3A_24] : memref<5000xi32, #tpu.memory_space<vmem>> -> memref<1000xi32, #tpu.memory_space<vmem>>
    %dma_start3A_26 = arith.constant 0 : i32
    %dma_start3A_27 = arith.constant 0 : i32
    %dma_start3A_28 = tpu.memref_slice %arg2[%dma_start3A_26, %dma_start3A_27] : memref<10000x32xbf16, #tpu.memory_space<hbm>> -> memref<10000x32xbf16, #tpu.memory_space<hbm>>
    tpu.enqueue_indirect_dma source(%dma_start3A_28 : memref<10000x32xbf16, #tpu.memory_space<hbm>>) target(%dma_start3A_23 : memref<1000x32xbf16, #tpu.memory_space<vmem>>) offsets(%dma_start3A_25 : memref<1000xi32, #tpu.memory_space<vmem>>) semaphore(%arg11 : memref<!tpu.dma_semaphore, #tpu.memory_space<semaphore_mem>>)
    %dma_start3A_29 = arith.constant 2 : i32
    %dma_start3A_30 = arith.constant 0 : i32
    %dma_start3A_31 = arith.constant 0 : i32
    %dma_start3A_32 = tpu.memref_slice %arg9[%dma_start3A_29, %dma_start3A_30, %dma_start3A_31] : memref<5x1000x32xbf16, #tpu.memory_space<vmem>> -> memref<1x1000x32xbf16, #tpu.memory_space<vmem>>
    %dma_start3A_33 = tpu.memref_squeeze %dma_start3A_32 : memref<1x1000x32xbf16, #tpu.memory_space<vmem>> -> memref<1000x32xbf16, #tpu.memory_space<vmem>>
    %dma_start3A_34 = arith.constant 2000 : i32
    %dma_start3A_35 = tpu.memref_slice %arg7[%dma_start3A_34] : memref<5000xi32, #tpu.memory_space<vmem>> -> memref<1000xi32, #tpu.memory_space<vmem>>
    %dma_start3A_36 = arith.constant 0 : i32
    %dma_start3A_37 = arith.constant 0 : i32
    %dma_start3A_38 = tpu.memref_slice %arg2[%dma_start3A_36, %dma_start3A_37] : memref<10000x32xbf16, #tpu.memory_space<hbm>> -> memref<10000x32xbf16, #tpu.memory_space<hbm>>
    tpu.enqueue_indirect_dma source(%dma_start3A_38 : memref<10000x32xbf16, #tpu.memory_space<hbm>>) target(%dma_start3A_33 : memref<1000x32xbf16, #tpu.memory_space<vmem>>) offsets(%dma_start3A_35 : memref<1000xi32, #tpu.memory_space<vmem>>) semaphore(%arg11 : memref<!tpu.dma_semaphore, #tpu.memory_space<semaphore_mem>>)
    %dma_start3A_39 = arith.constant 3 : i32
    %dma_start3A_40 = arith.constant 0 : i32
    %dma_start3A_41 = arith.constant 0 : i32
    %dma_start3A_42 = tpu.memref_slice %arg9[%dma_start3A_39, %dma_start3A_40, %dma_start3A_41] : memref<5x1000x32xbf16, #tpu.memory_space<vmem>> -> memref<1x1000x32xbf16, #tpu.memory_space<vmem>>
    %dma_start3A_43 = tpu.memref_squeeze %dma_start3A_42 : memref<1x1000x32xbf16, #tpu.memory_space<vmem>> -> memref<1000x32xbf16, #tpu.memory_space<vmem>>
    %dma_start3A_44 = arith.constant 3000 : i32
    %dma_start3A_45 = tpu.memref_slice %arg7[%dma_start3A_44] : memref<5000xi32, #tpu.memory_space<vmem>> -> memref<1000xi32, #tpu.memory_space<vmem>>
    %dma_start3A_46 = arith.constant 0 : i32
    %dma_start3A_47 = arith.constant 0 : i32
    %dma_start3A_48 = tpu.memref_slice %arg2[%dma_start3A_46, %dma_start3A_47] : memref<10000x32xbf16, #tpu.memory_space<hbm>> -> memref<10000x32xbf16, #tpu.memory_space<hbm>>
    tpu.enqueue_indirect_dma source(%dma_start3A_48 : memref<10000x32xbf16, #tpu.memory_space<hbm>>) target(%dma_start3A_43 : memref<1000x32xbf16, #tpu.memory_space<vmem>>) offsets(%dma_start3A_45 : memref<1000xi32, #tpu.memory_space<vmem>>) semaphore(%arg11 : memref<!tpu.dma_semaphore, #tpu.memory_space<semaphore_mem>>)
    %dma_start3A_49 = arith.constant 4 : i32
    %dma_start3A_50 = arith.constant 0 : i32
    %dma_start3A_51 = arith.constant 0 : i32
    %dma_start3A_52 = tpu.memref_slice %arg9[%dma_start3A_49, %dma_start3A_50, %dma_start3A_51] : memref<5x1000x32xbf16, #tpu.memory_space<vmem>> -> memref<1x1000x32xbf16, #tpu.memory_space<vmem>>
    %dma_start3A_53 = tpu.memref_squeeze %dma_start3A_52 : memref<1x1000x32xbf16, #tpu.memory_space<vmem>> -> memref<1000x32xbf16, #tpu.memory_space<vmem>>
    %dma_start3A_54 = arith.constant 4000 : i32
    %dma_start3A_55 = tpu.memref_slice %arg7[%dma_start3A_54] : memref<5000xi32, #tpu.memory_space<vmem>> -> memref<1000xi32, #tpu.memory_space<vmem>>
    %dma_start3A_56 = arith.constant 0 : i32
    %dma_start3A_57 = arith.constant 0 : i32
    %dma_start3A_58 = tpu.memref_slice %arg2[%dma_start3A_56, %dma_start3A_57] : memref<10000x32xbf16, #tpu.memory_space<hbm>> -> memref<10000x32xbf16, #tpu.memory_space<hbm>>
    tpu.enqueue_indirect_dma source(%dma_start3A_58 : memref<10000x32xbf16, #tpu.memory_space<hbm>>) target(%dma_start3A_53 : memref<1000x32xbf16, #tpu.memory_space<vmem>>) offsets(%dma_start3A_55 : memref<1000xi32, #tpu.memory_space<vmem>>) semaphore(%arg11 : memref<!tpu.dma_semaphore, #tpu.memory_space<semaphore_mem>>)
    %dma_wait3A = arith.constant 0 : i32
    %dma_wait3A_59 = arith.constant 0 : i32
    %dma_wait3A_60 = arith.constant 0 : i32
    %dma_wait3A_61 = tpu.memref_slice %arg9[%dma_wait3A, %dma_wait3A_59, %dma_wait3A_60] : memref<5x1000x32xbf16, #tpu.memory_space<vmem>> -> memref<1x1000x32xbf16, #tpu.memory_space<vmem>>
    %dma_wait3A_62 = tpu.memref_squeeze %dma_wait3A_61 : memref<1x1000x32xbf16, #tpu.memory_space<vmem>> -> memref<1000x32xbf16, #tpu.memory_space<vmem>>
    %dma_wait3A_63 = arith.constant 0 : i32
    %dma_wait3A_64 = tpu.memref_slice %arg7[%dma_wait3A_63] : memref<5000xi32, #tpu.memory_space<vmem>> -> memref<1000xi32, #tpu.memory_space<vmem>>
    %dma_wait3A_65 = arith.constant 0 : i32
    %dma_wait3A_66 = arith.constant 0 : i32
    %dma_wait3A_67 = tpu.memref_slice %arg2[%dma_wait3A_65, %dma_wait3A_66] : memref<10000x32xbf16, #tpu.memory_space<hbm>> -> memref<10000x32xbf16, #tpu.memory_space<hbm>>
    tpu.wait_indirect_dma semaphore(%arg11 : memref<!tpu.dma_semaphore, #tpu.memory_space<semaphore_mem>>) src(%dma_wait3A_67 : memref<10000x32xbf16, #tpu.memory_space<hbm>>) dst(%dma_wait3A_62 : memref<1000x32xbf16, #tpu.memory_space<vmem>>)
    %dma_start3A_68 = arith.constant 0 : i32
    %dma_start3A_69 = arith.constant 0 : i32
    %dma_start3A_70 = arith.constant 0 : i32
    %dma_start3A_71 = tpu.memref_slice %arg9[%dma_start3A_68, %dma_start3A_69, %dma_start3A_70] : memref<5x1000x32xbf16, #tpu.memory_space<vmem>> -> memref<1x1000x32xbf16, #tpu.memory_space<vmem>>
    %dma_start3A_72 = tpu.memref_squeeze %dma_start3A_71 : memref<1x1000x32xbf16, #tpu.memory_space<vmem>> -> memref<1000x32xbf16, #tpu.memory_space<vmem>>
    %dma_start3A_73 = arith.constant 0 : i32
    %dma_start3A_74 = tpu.memref_slice %arg8[%dma_start3A_73] : memref<5000xi32, #tpu.memory_space<vmem>> -> memref<1000xi32, #tpu.memory_space<vmem>>
    %dma_start3A_75 = arith.constant 0 : i32
    %dma_start3A_76 = arith.constant 0 : i32
    %dma_start3A_77 = tpu.memref_slice %arg10[%dma_start3A_75, %dma_start3A_76] : memref<10112x32xbf16, #tpu.memory_space<vmem_shared>> -> memref<10112x32xbf16, #tpu.memory_space<vmem_shared>>
    tpu.enqueue_indirect_dma source(%dma_start3A_72 : memref<1000x32xbf16, #tpu.memory_space<vmem>>) target(%dma_start3A_77 : memref<10112x32xbf16, #tpu.memory_space<vmem_shared>>) offsets(%dma_start3A_74 : memref<1000xi32, #tpu.memory_space<vmem>>) semaphore(%arg12 : memref<!tpu.dma_semaphore, #tpu.memory_space<semaphore_mem>>) {add = true}
    %dma_wait3A_78 = arith.constant 1 : i32
    %dma_wait3A_79 = arith.constant 0 : i32
    %dma_wait3A_80 = arith.constant 0 : i32
    %dma_wait3A_81 = tpu.memref_slice %arg9[%dma_wait3A_78, %dma_wait3A_79, %dma_wait3A_80] : memref<5x1000x32xbf16, #tpu.memory_space<vmem>> -> memref<1x1000x32xbf16, #tpu.memory_space<vmem>>
    %dma_wait3A_82 = tpu.memref_squeeze %dma_wait3A_81 : memref<1x1000x32xbf16, #tpu.memory_space<vmem>> -> memref<1000x32xbf16, #tpu.memory_space<vmem>>
    %dma_wait3A_83 = arith.constant 1000 : i32
    %dma_wait3A_84 = tpu.memref_slice %arg7[%dma_wait3A_83] : memref<5000xi32, #tpu.memory_space<vmem>> -> memref<1000xi32, #tpu.memory_space<vmem>>
    %dma_wait3A_85 = arith.constant 0 : i32
    %dma_wait3A_86 = arith.constant 0 : i32
    %dma_wait3A_87 = tpu.memref_slice %arg2[%dma_wait3A_85, %dma_wait3A_86] : memref<10000x32xbf16, #tpu.memory_space<hbm>> -> memref<10000x32xbf16, #tpu.memory_space<hbm>>
    tpu.wait_indirect_dma semaphore(%arg11 : memref<!tpu.dma_semaphore, #tpu.memory_space<semaphore_mem>>) src(%dma_wait3A_87 : memref<10000x32xbf16, #tpu.memory_space<hbm>>) dst(%dma_wait3A_82 : memref<1000x32xbf16, #tpu.memory_space<vmem>>)
    %dma_start3A_88 = arith.constant 1 : i32
    %dma_start3A_89 = arith.constant 0 : i32
    %dma_start3A_90 = arith.constant 0 : i32
    %dma_start3A_91 = tpu.memref_slice %arg9[%dma_start3A_88, %dma_start3A_89, %dma_start3A_90] : memref<5x1000x32xbf16, #tpu.memory_space<vmem>> -> memref<1x1000x32xbf16, #tpu.memory_space<vmem>>
    %dma_start3A_92 = tpu.memref_squeeze %dma_start3A_91 : memref<1x1000x32xbf16, #tpu.memory_space<vmem>> -> memref<1000x32xbf16, #tpu.memory_space<vmem>>
    %dma_start3A_93 = arith.constant 1000 : i32
    %dma_start3A_94 = tpu.memref_slice %arg8[%dma_start3A_93] : memref<5000xi32, #tpu.memory_space<vmem>> -> memref<1000xi32, #tpu.memory_space<vmem>>
    %dma_start3A_95 = arith.constant 0 : i32
    %dma_start3A_96 = arith.constant 0 : i32
    %dma_start3A_97 = tpu.memref_slice %arg10[%dma_start3A_95, %dma_start3A_96] : memref<10112x32xbf16, #tpu.memory_space<vmem_shared>> -> memref<10112x32xbf16, #tpu.memory_space<vmem_shared>>
    tpu.enqueue_indirect_dma source(%dma_start3A_92 : memref<1000x32xbf16, #tpu.memory_space<vmem>>) target(%dma_start3A_97 : memref<10112x32xbf16, #tpu.memory_space<vmem_shared>>) offsets(%dma_start3A_94 : memref<1000xi32, #tpu.memory_space<vmem>>) semaphore(%arg12 : memref<!tpu.dma_semaphore, #tpu.memory_space<semaphore_mem>>) {add = true}
    %dma_wait3A_98 = arith.constant 2 : i32
    %dma_wait3A_99 = arith.constant 0 : i32
    %dma_wait3A_100 = arith.constant 0 : i32
    %dma_wait3A_101 = tpu.memref_slice %arg9[%dma_wait3A_98, %dma_wait3A_99, %dma_wait3A_100] : memref<5x1000x32xbf16, #tpu.memory_space<vmem>> -> memref<1x1000x32xbf16, #tpu.memory_space<vmem>>
    %dma_wait3A_102 = tpu.memref_squeeze %dma_wait3A_101 : memref<1x1000x32xbf16, #tpu.memory_space<vmem>> -> memref<1000x32xbf16, #tpu.memory_space<vmem>>
    %dma_wait3A_103 = arith.constant 2000 : i32
    %dma_wait3A_104 = tpu.memref_slice %arg7[%dma_wait3A_103] : memref<5000xi32, #tpu.memory_space<vmem>> -> memref<1000xi32, #tpu.memory_space<vmem>>
    %dma_wait3A_105 = arith.constant 0 : i32
    %dma_wait3A_106 = arith.constant 0 : i32
    %dma_wait3A_107 = tpu.memref_slice %arg2[%dma_wait3A_105, %dma_wait3A_106] : memref<10000x32xbf16, #tpu.memory_space<hbm>> -> memref<10000x32xbf16, #tpu.memory_space<hbm>>
    tpu.wait_indirect_dma semaphore(%arg11 : memref<!tpu.dma_semaphore, #tpu.memory_space<semaphore_mem>>) src(%dma_wait3A_107 : memref<10000x32xbf16, #tpu.memory_space<hbm>>) dst(%dma_wait3A_102 : memref<1000x32xbf16, #tpu.memory_space<vmem>>)
    %dma_start3A_108 = arith.constant 2 : i32
    %dma_start3A_109 = arith.constant 0 : i32
    %dma_start3A_110 = arith.constant 0 : i32
    %dma_start3A_111 = tpu.memref_slice %arg9[%dma_start3A_108, %dma_start3A_109, %dma_start3A_110] : memref<5x1000x32xbf16, #tpu.memory_space<vmem>> -> memref<1x1000x32xbf16, #tpu.memory_space<vmem>>
    %dma_start3A_112 = tpu.memref_squeeze %dma_start3A_111 : memref<1x1000x32xbf16, #tpu.memory_space<vmem>> -> memref<1000x32xbf16, #tpu.memory_space<vmem>>
    %dma_start3A_113 = arith.constant 2000 : i32
    %dma_start3A_114 = tpu.memref_slice %arg8[%dma_start3A_113] : memref<5000xi32, #tpu.memory_space<vmem>> -> memref<1000xi32, #tpu.memory_space<vmem>>
    %dma_start3A_115 = arith.constant 0 : i32
    %dma_start3A_116 = arith.constant 0 : i32
    %dma_start3A_117 = tpu.memref_slice %arg10[%dma_start3A_115, %dma_start3A_116] : memref<10112x32xbf16, #tpu.memory_space<vmem_shared>> -> memref<10112x32xbf16, #tpu.memory_space<vmem_shared>>
    tpu.enqueue_indirect_dma source(%dma_start3A_112 : memref<1000x32xbf16, #tpu.memory_space<vmem>>) target(%dma_start3A_117 : memref<10112x32xbf16, #tpu.memory_space<vmem_shared>>) offsets(%dma_start3A_114 : memref<1000xi32, #tpu.memory_space<vmem>>) semaphore(%arg12 : memref<!tpu.dma_semaphore, #tpu.memory_space<semaphore_mem>>) {add = true}
    %dma_wait3A_118 = arith.constant 3 : i32
    %dma_wait3A_119 = arith.constant 0 : i32
    %dma_wait3A_120 = arith.constant 0 : i32
    %dma_wait3A_121 = tpu.memref_slice %arg9[%dma_wait3A_118, %dma_wait3A_119, %dma_wait3A_120] : memref<5x1000x32xbf16, #tpu.memory_space<vmem>> -> memref<1x1000x32xbf16, #tpu.memory_space<vmem>>
    %dma_wait3A_122 = tpu.memref_squeeze %dma_wait3A_121 : memref<1x1000x32xbf16, #tpu.memory_space<vmem>> -> memref<1000x32xbf16, #tpu.memory_space<vmem>>
    %dma_wait3A_123 = arith.constant 3000 : i32
    %dma_wait3A_124 = tpu.memref_slice %arg7[%dma_wait3A_123] : memref<5000xi32, #tpu.memory_space<vmem>> -> memref<1000xi32, #tpu.memory_space<vmem>>
    %dma_wait3A_125 = arith.constant 0 : i32
    %dma_wait3A_126 = arith.constant 0 : i32
    %dma_wait3A_127 = tpu.memref_slice %arg2[%dma_wait3A_125, %dma_wait3A_126] : memref<10000x32xbf16, #tpu.memory_space<hbm>> -> memref<10000x32xbf16, #tpu.memory_space<hbm>>
    tpu.wait_indirect_dma semaphore(%arg11 : memref<!tpu.dma_semaphore, #tpu.memory_space<semaphore_mem>>) src(%dma_wait3A_127 : memref<10000x32xbf16, #tpu.memory_space<hbm>>) dst(%dma_wait3A_122 : memref<1000x32xbf16, #tpu.memory_space<vmem>>)
    %dma_start3A_128 = arith.constant 3 : i32
    %dma_start3A_129 = arith.constant 0 : i32
    %dma_start3A_130 = arith.constant 0 : i32
    %dma_start3A_131 = tpu.memref_slice %arg9[%dma_start3A_128, %dma_start3A_129, %dma_start3A_130] : memref<5x1000x32xbf16, #tpu.memory_space<vmem>> -> memref<1x1000x32xbf16, #tpu.memory_space<vmem>>
    %dma_start3A_132 = tpu.memref_squeeze %dma_start3A_131 : memref<1x1000x32xbf16, #tpu.memory_space<vmem>> -> memref<1000x32xbf16, #tpu.memory_space<vmem>>
    %dma_start3A_133 = arith.constant 3000 : i32
    %dma_start3A_134 = tpu.memref_slice %arg8[%dma_start3A_133] : memref<5000xi32, #tpu.memory_space<vmem>> -> memref<1000xi32, #tpu.memory_space<vmem>>
    %dma_start3A_135 = arith.constant 0 : i32
    %dma_start3A_136 = arith.constant 0 : i32
    %dma_start3A_137 = tpu.memref_slice %arg10[%dma_start3A_135, %dma_start3A_136] : memref<10112x32xbf16, #tpu.memory_space<vmem_shared>> -> memref<10112x32xbf16, #tpu.memory_space<vmem_shared>>
    tpu.enqueue_indirect_dma source(%dma_start3A_132 : memref<1000x32xbf16, #tpu.memory_space<vmem>>) target(%dma_start3A_137 : memref<10112x32xbf16, #tpu.memory_space<vmem_shared>>) offsets(%dma_start3A_134 : memref<1000xi32, #tpu.memory_space<vmem>>) semaphore(%arg12 : memref<!tpu.dma_semaphore, #tpu.memory_space<semaphore_mem>>) {add = true}
    %dma_wait3A_138 = arith.constant 4 : i32
    %dma_wait3A_139 = arith.constant 0 : i32
    %dma_wait3A_140 = arith.constant 0 : i32
    %dma_wait3A_141 = tpu.memref_slice %arg9[%dma_wait3A_138, %dma_wait3A_139, %dma_wait3A_140] : memref<5x1000x32xbf16, #tpu.memory_space<vmem>> -> memref<1x1000x32xbf16, #tpu.memory_space<vmem>>
    %dma_wait3A_142 = tpu.memref_squeeze %dma_wait3A_141 : memref<1x1000x32xbf16, #tpu.memory_space<vmem>> -> memref<1000x32xbf16, #tpu.memory_space<vmem>>
    %dma_wait3A_143 = arith.constant 4000 : i32
    %dma_wait3A_144 = tpu.memref_slice %arg7[%dma_wait3A_143] : memref<5000xi32, #tpu.memory_space<vmem>> -> memref<1000xi32, #tpu.memory_space<vmem>>
    %dma_wait3A_145 = arith.constant 0 : i32
    %dma_wait3A_146 = arith.constant 0 : i32
    %dma_wait3A_147 = tpu.memref_slice %arg2[%dma_wait3A_145, %dma_wait3A_146] : memref<10000x32xbf16, #tpu.memory_space<hbm>> -> memref<10000x32xbf16, #tpu.memory_space<hbm>>
    tpu.wait_indirect_dma semaphore(%arg11 : memref<!tpu.dma_semaphore, #tpu.memory_space<semaphore_mem>>) src(%dma_wait3A_147 : memref<10000x32xbf16, #tpu.memory_space<hbm>>) dst(%dma_wait3A_142 : memref<1000x32xbf16, #tpu.memory_space<vmem>>)
    %dma_start3A_148 = arith.constant 4 : i32
    %dma_start3A_149 = arith.constant 0 : i32
    %dma_start3A_150 = arith.constant 0 : i32
    %dma_start3A_151 = tpu.memref_slice %arg9[%dma_start3A_148, %dma_start3A_149, %dma_start3A_150] : memref<5x1000x32xbf16, #tpu.memory_space<vmem>> -> memref<1x1000x32xbf16, #tpu.memory_space<vmem>>
    %dma_start3A_152 = tpu.memref_squeeze %dma_start3A_151 : memref<1x1000x32xbf16, #tpu.memory_space<vmem>> -> memref<1000x32xbf16, #tpu.memory_space<vmem>>
    %dma_start3A_153 = arith.constant 4000 : i32
    %dma_start3A_154 = tpu.memref_slice %arg8[%dma_start3A_153] : memref<5000xi32, #tpu.memory_space<vmem>> -> memref<1000xi32, #tpu.memory_space<vmem>>
    %dma_start3A_155 = arith.constant 0 : i32
    %dma_start3A_156 = arith.constant 0 : i32
    %dma_start3A_157 = tpu.memref_slice %arg10[%dma_start3A_155, %dma_start3A_156] : memref<10112x32xbf16, #tpu.memory_space<vmem_shared>> -> memref<10112x32xbf16, #tpu.memory_space<vmem_shared>>
    tpu.enqueue_indirect_dma source(%dma_start3A_152 : memref<1000x32xbf16, #tpu.memory_space<vmem>>) target(%dma_start3A_157 : memref<10112x32xbf16, #tpu.memory_space<vmem_shared>>) offsets(%dma_start3A_154 : memref<1000xi32, #tpu.memory_space<vmem>>) semaphore(%arg12 : memref<!tpu.dma_semaphore, #tpu.memory_space<semaphore_mem>>) {add = true}
    %dma_wait3A_158 = arith.constant 0 : i32
    %dma_wait3A_159 = arith.constant 0 : i32
    %dma_wait3A_160 = arith.constant 0 : i32
    %dma_wait3A_161 = tpu.memref_slice %arg9[%dma_wait3A_158, %dma_wait3A_159, %dma_wait3A_160] : memref<5x1000x32xbf16, #tpu.memory_space<vmem>> -> memref<1x1000x32xbf16, #tpu.memory_space<vmem>>
    %dma_wait3A_162 = tpu.memref_squeeze %dma_wait3A_161 : memref<1x1000x32xbf16, #tpu.memory_space<vmem>> -> memref<1000x32xbf16, #tpu.memory_space<vmem>>
    %dma_wait3A_163 = arith.constant 0 : i32
    %dma_wait3A_164 = tpu.memref_slice %arg8[%dma_wait3A_163] : memref<5000xi32, #tpu.memory_space<vmem>> -> memref<1000xi32, #tpu.memory_space<vmem>>
    %dma_wait3A_165 = arith.constant 0 : i32
    %dma_wait3A_166 = arith.constant 0 : i32
    %dma_wait3A_167 = tpu.memref_slice %arg10[%dma_wait3A_165, %dma_wait3A_166] : memref<10112x32xbf16, #tpu.memory_space<vmem_shared>> -> memref<10112x32xbf16, #tpu.memory_space<vmem_shared>>
    tpu.wait_indirect_dma semaphore(%arg12 : memref<!tpu.dma_semaphore, #tpu.memory_space<semaphore_mem>>) src(%dma_wait3A_162 : memref<1000x32xbf16, #tpu.memory_space<vmem>>) dst(%dma_wait3A_167 : memref<10112x32xbf16, #tpu.memory_space<vmem_shared>>)
    %dma_wait3A_168 = arith.constant 1 : i32
    %dma_wait3A_169 = arith.constant 0 : i32
    %dma_wait3A_170 = arith.constant 0 : i32
    %dma_wait3A_171 = tpu.memref_slice %arg9[%dma_wait3A_168, %dma_wait3A_169, %dma_wait3A_170] : memref<5x1000x32xbf16, #tpu.memory_space<vmem>> -> memref<1x1000x32xbf16, #tpu.memory_space<vmem>>
    %dma_wait3A_172 = tpu.memref_squeeze %dma_wait3A_171 : memref<1x1000x32xbf16, #tpu.memory_space<vmem>> -> memref<1000x32xbf16, #tpu.memory_space<vmem>>
    %dma_wait3A_173 = arith.constant 1000 : i32
    %dma_wait3A_174 = tpu.memref_slice %arg8[%dma_wait3A_173] : memref<5000xi32, #tpu.memory_space<vmem>> -> memref<1000xi32, #tpu.memory_space<vmem>>
    %dma_wait3A_175 = arith.constant 0 : i32
    %dma_wait3A_176 = arith.constant 0 : i32
    %dma_wait3A_177 = tpu.memref_slice %arg10[%dma_wait3A_175, %dma_wait3A_176] : memref<10112x32xbf16, #tpu.memory_space<vmem_shared>> -> memref<10112x32xbf16, #tpu.memory_space<vmem_shared>>
    tpu.wait_indirect_dma semaphore(%arg12 : memref<!tpu.dma_semaphore, #tpu.memory_space<semaphore_mem>>) src(%dma_wait3A_172 : memref<1000x32xbf16, #tpu.memory_space<vmem>>) dst(%dma_wait3A_177 : memref<10112x32xbf16, #tpu.memory_space<vmem_shared>>)
    %dma_wait3A_178 = arith.constant 2 : i32
    %dma_wait3A_179 = arith.constant 0 : i32
    %dma_wait3A_180 = arith.constant 0 : i32
    %dma_wait3A_181 = tpu.memref_slice %arg9[%dma_wait3A_178, %dma_wait3A_179, %dma_wait3A_180] : memref<5x1000x32xbf16, #tpu.memory_space<vmem>> -> memref<1x1000x32xbf16, #tpu.memory_space<vmem>>
    %dma_wait3A_182 = tpu.memref_squeeze %dma_wait3A_181 : memref<1x1000x32xbf16, #tpu.memory_space<vmem>> -> memref<1000x32xbf16, #tpu.memory_space<vmem>>
    %dma_wait3A_183 = arith.constant 2000 : i32
    %dma_wait3A_184 = tpu.memref_slice %arg8[%dma_wait3A_183] : memref<5000xi32, #tpu.memory_space<vmem>> -> memref<1000xi32, #tpu.memory_space<vmem>>
    %dma_wait3A_185 = arith.constant 0 : i32
    %dma_wait3A_186 = arith.constant 0 : i32
    %dma_wait3A_187 = tpu.memref_slice %arg10[%dma_wait3A_185, %dma_wait3A_186] : memref<10112x32xbf16, #tpu.memory_space<vmem_shared>> -> memref<10112x32xbf16, #tpu.memory_space<vmem_shared>>
    tpu.wait_indirect_dma semaphore(%arg12 : memref<!tpu.dma_semaphore, #tpu.memory_space<semaphore_mem>>) src(%dma_wait3A_182 : memref<1000x32xbf16, #tpu.memory_space<vmem>>) dst(%dma_wait3A_187 : memref<10112x32xbf16, #tpu.memory_space<vmem_shared>>)
    %dma_wait3A_188 = arith.constant 3 : i32
    %dma_wait3A_189 = arith.constant 0 : i32
    %dma_wait3A_190 = arith.constant 0 : i32
    %dma_wait3A_191 = tpu.memref_slice %arg9[%dma_wait3A_188, %dma_wait3A_189, %dma_wait3A_190] : memref<5x1000x32xbf16, #tpu.memory_space<vmem>> -> memref<1x1000x32xbf16, #tpu.memory_space<vmem>>
    %dma_wait3A_192 = tpu.memref_squeeze %dma_wait3A_191 : memref<1x1000x32xbf16, #tpu.memory_space<vmem>> -> memref<1000x32xbf16, #tpu.memory_space<vmem>>
    %dma_wait3A_193 = arith.constant 3000 : i32
    %dma_wait3A_194 = tpu.memref_slice %arg8[%dma_wait3A_193] : memref<5000xi32, #tpu.memory_space<vmem>> -> memref<1000xi32, #tpu.memory_space<vmem>>
    %dma_wait3A_195 = arith.constant 0 : i32
    %dma_wait3A_196 = arith.constant 0 : i32
    %dma_wait3A_197 = tpu.memref_slice %arg10[%dma_wait3A_195, %dma_wait3A_196] : memref<10112x32xbf16, #tpu.memory_space<vmem_shared>> -> memref<10112x32xbf16, #tpu.memory_space<vmem_shared>>
    tpu.wait_indirect_dma semaphore(%arg12 : memref<!tpu.dma_semaphore, #tpu.memory_space<semaphore_mem>>) src(%dma_wait3A_192 : memref<1000x32xbf16, #tpu.memory_space<vmem>>) dst(%dma_wait3A_197 : memref<10112x32xbf16, #tpu.memory_space<vmem_shared>>)
    %dma_wait3A_198 = arith.constant 4 : i32
    %dma_wait3A_199 = arith.constant 0 : i32
    %dma_wait3A_200 = arith.constant 0 : i32
    %dma_wait3A_201 = tpu.memref_slice %arg9[%dma_wait3A_198, %dma_wait3A_199, %dma_wait3A_200] : memref<5x1000x32xbf16, #tpu.memory_space<vmem>> -> memref<1x1000x32xbf16, #tpu.memory_space<vmem>>
    %dma_wait3A_202 = tpu.memref_squeeze %dma_wait3A_201 : memref<1x1000x32xbf16, #tpu.memory_space<vmem>> -> memref<1000x32xbf16, #tpu.memory_space<vmem>>
    %dma_wait3A_203 = arith.constant 4000 : i32
    %dma_wait3A_204 = tpu.memref_slice %arg8[%dma_wait3A_203] : memref<5000xi32, #tpu.memory_space<vmem>> -> memref<1000xi32, #tpu.memory_space<vmem>>
    %dma_wait3A_205 = arith.constant 0 : i32
    %dma_wait3A_206 = arith.constant 0 : i32
    %dma_wait3A_207 = tpu.memref_slice %arg10[%dma_wait3A_205, %dma_wait3A_206] : memref<10112x32xbf16, #tpu.memory_space<vmem_shared>> -> memref<10112x32xbf16, #tpu.memory_space<vmem_shared>>
    tpu.wait_indirect_dma semaphore(%arg12 : memref<!tpu.dma_semaphore, #tpu.memory_space<semaphore_mem>>) src(%dma_wait3A_202 : memref<1000x32xbf16, #tpu.memory_space<vmem>>) dst(%dma_wait3A_207 : memref<10112x32xbf16, #tpu.memory_space<vmem_shared>>)
    %barrier3A_208 = arith.constant 0 : index
    tpu.barrier barrier_id(%barrier3A_208)
    %mul3A_209 = arith.constant 632 : i32
    %mul3A_210 = arith.muli %arg1, %mul3A_209 : i32
    %multiple_of3A_211 = tpu.assume_multiple %mul3A_210, 8 : i32
    %mul3A_212 = arith.constant 632 : i32
    %mul3A_213 = arith.muli %arg1, %mul3A_212 : i32
    %multiple_of3A_214 = tpu.assume_multiple %mul3A_213, 8 : i32
    "tpu.region"() ({
      %run_scoped3A = tpu.sem_alloc : memref<!tpu.dma_semaphore, #tpu.memory_space<semaphore_mem>>
      %dma_start3A_215 = arith.constant 0 : i32
      %dma_start3A_216 = arith.constant 0 : i32
      %dma_start3A_217 = tpu.memref_slice %arg6[%arg0, %dma_start3A_215, %dma_start3A_216] : memref<2x10112x32xbf16, #tpu.memory_space<hbm>> -> memref<1x10112x32xbf16, #tpu.memory_space<hbm>>
      %dma_start3A_218 = tpu.memref_squeeze %dma_start3A_217 : memref<1x10112x32xbf16, #tpu.memory_space<hbm>> -> memref<10112x32xbf16, #tpu.memory_space<hbm>>
      %dma_start3A_219 = arith.constant 0 : i32
      %dma_start3A_220 = tpu.memref_slice %dma_start3A_218[%multiple_of3A_214, %dma_start3A_219] : memref<10112x32xbf16, #tpu.memory_space<hbm>> -> memref<632x32xbf16, #tpu.memory_space<hbm>>
      %dma_start3A_221 = arith.constant 0 : i32
      %dma_start3A_222 = tpu.memref_slice %arg10[%multiple_of3A_211, %dma_start3A_221] : memref<10112x32xbf16, #tpu.memory_space<vmem_shared>> -> memref<632x32xbf16, #tpu.memory_space<vmem_shared>>
      tpu.enqueue_dma source(%dma_start3A_222 : memref<632x32xbf16, #tpu.memory_space<vmem_shared>>) target(%dma_start3A_220 : memref<632x32xbf16, #tpu.memory_space<hbm>>) target_semaphore(%run_scoped3A : memref<!tpu.dma_semaphore, #tpu.memory_space<semaphore_mem>>)
      %dma_wait3A_223 = arith.constant 0 : i32
      %dma_wait3A_224 = arith.constant 0 : i32
      %dma_wait3A_225 = tpu.memref_slice %arg6[%arg0, %dma_wait3A_223, %dma_wait3A_224] : memref<2x10112x32xbf16, #tpu.memory_space<hbm>> -> memref<1x10112x32xbf16, #tpu.memory_space<hbm>>
      %dma_wait3A_226 = tpu.memref_squeeze %dma_wait3A_225 : memref<1x10112x32xbf16, #tpu.memory_space<hbm>> -> memref<10112x32xbf16, #tpu.memory_space<hbm>>
      %dma_wait3A_227 = arith.constant 0 : i32
      %dma_wait3A_228 = tpu.memref_slice %dma_wait3A_226[%multiple_of3A_214, %dma_wait3A_227] : memref<10112x32xbf16, #tpu.memory_space<hbm>> -> memref<632x32xbf16, #tpu.memory_space<hbm>>
      %dma_wait3A_229 = arith.constant 0 : i32
      %dma_wait3A_230 = tpu.memref_slice %arg10[%multiple_of3A_211, %dma_wait3A_229] : memref<10112x32xbf16, #tpu.memory_space<vmem_shared>> -> memref<632x32xbf16, #tpu.memory_space<vmem_shared>>
      tpu.wait_dma2 semaphore(%run_scoped3A : memref<!tpu.dma_semaphore, #tpu.memory_space<semaphore_mem>>) src(%dma_wait3A_230 : memref<632x32xbf16, #tpu.memory_space<vmem_shared>>) dst(%dma_wait3A_228 : memref<632x32xbf16, #tpu.memory_space<hbm>>)
      tpu.yield
    }) : () -> ()
    return
  }
}

#map = affine_map<(d0, d1) -> (0, 0)>
#map1 = affine_map<(d0, d1) -> (0)>
#map2 = affine_map<(d0, d1) -> (0, 0, 0)>
module attributes {stable_mosaic.version = 14 : i64} {
  func.func @k(%arg0: i32, %arg1: i32, %arg2: memref<10000x32xbf16, #tpu.memory_space<hbm>>, %arg3: memref<160000xi32, #tpu.memory_space<hbm>>, %arg4: memref<160000xi32, #tpu.memory_space<hbm>>, %arg5: memref<10112x32xbf16, #tpu.memory_space<hbm>>, %arg6: memref<2x10112x32xbf16, #tpu.memory_space<hbm>>, %arg7: memref<5000xi32, #tpu.memory_space<vmem>>, %arg8: memref<5000xi32, #tpu.memory_space<vmem>>, %arg9: memref<5x1000x32xbf16, #tpu.memory_space<vmem>>, %arg10: memref<10112x32xbf16, #tpu.memory_space<vmem_shared>>, %arg11: memref<!tpu.dma_semaphore, #tpu.memory_space<semaphore_mem>>, %arg12: memref<!tpu.dma_semaphore, #tpu.memory_space<semaphore_mem>>) attributes {dimension_semantics = [#tpu.dimension_semantics<core_parallel>, #tpu.dimension_semantics<subcore_parallel>], iteration_bounds = array<i64: 2, 16>, scalar_prefetch = 0 : i64, scratch_operands = 6 : i64, tpu.core_type = #tpu.core_type<sc_vector_subcore>, window_params = [{transform_indices = #map}, {transform_indices = #map1}, {transform_indices = #map1}, {transform_indices = #map}, {transform_indices = #map2}]} {
    %mul3A = arith.constant 16 : i32
    %mul3A_0 = arith.muli %arg0, %mul3A : i32
    %add3A = arith.addi %mul3A_0, %arg1 : i32
    %mul3A_1 = arith.constant 632 : i32
    %mul3A_2 = arith.muli %arg1, %mul3A_1 : i32
    %multiple_of3A = tpu.assume_multiple %mul3A_2, 8 : i32
    %mul3A_3 = arith.constant 632 : i32
    %mul3A_4 = arith.muli %arg1, %mul3A_3 : i32
    %multiple_of3A_5 = tpu.assume_multiple %mul3A_4, 8 : i32
    "tpu.region"() ({
      %run_scoped3A = tpu.sem_alloc : memref<!tpu.dma_semaphore, #tpu.memory_space<semaphore_mem>>
      %dma_start3A_215 = arith.constant 0 : i32
      %dma_start3A_216 = tpu.memref_slice %arg10[%multiple_of3A_5, %dma_start3A_215] : memref<10112x32xbf16, #tpu.memory_space<vmem_shared>> -> memref<632x32xbf16, #tpu.memory_space<vmem_shared>>
      %dma_start3A_217 = arith.constant 0 : i32
      %dma_start3A_218 = tpu.memref_slice %arg5[%multiple_of3A, %dma_start3A_217] : memref<10112x32xbf16, #tpu.memory_space<hbm>> -> memref<632x32xbf16, #tpu.memory_space<hbm>>
      tpu.enqueue_dma source(%dma_start3A_218 : memref<632x32xbf16, #tpu.memory_space<hbm>>) target(%dma_start3A_216 : memref<632x32xbf16, #tpu.memory_space<vmem_shared>>) target_semaphore(%run_scoped3A : memref<!tpu.dma_semaphore, #tpu.memory_space<semaphore_mem>>)
      %dma_wait3A_219 = arith.constant 0 : i32
      %dma_wait3A_220 = tpu.memref_slice %arg10[%multiple_of3A_5, %dma_wait3A_219] : memref<10112x32xbf16, #tpu.memory_space<vmem_shared>> -> memref<632x32xbf16, #tpu.memory_space<vmem_shared>>
      %dma_wait3A_221 = arith.constant 0 : i32
      %dma_wait3A_222 = tpu.memref_slice %arg5[%multiple_of3A, %dma_wait3A_221] : memref<10112x32xbf16, #tpu.memory_space<hbm>> -> memref<632x32xbf16, #tpu.memory_space<hbm>>
      tpu.wait_dma2 semaphore(%run_scoped3A : memref<!tpu.dma_semaphore, #tpu.memory_space<semaphore_mem>>) src(%dma_wait3A_222 : memref<632x32xbf16, #tpu.memory_space<hbm>>) dst(%dma_wait3A_220 : memref<632x32xbf16, #tpu.memory_space<vmem_shared>>)
      tpu.yield
    }) : () -> ()
    %mul3A_6 = arith.constant 5000 : i32
    %mul3A_7 = arith.muli %add3A, %mul3A_6 : i32
    "tpu.region"() ({
      %run_scoped3A = tpu.sem_alloc : memref<!tpu.dma_semaphore, #tpu.memory_space<semaphore_mem>>
      %dma_start3A_215 = tpu.memref_slice %arg3[%mul3A_7] : memref<160000xi32, #tpu.memory_space<hbm>> -> memref<5000xi32, #tpu.memory_space<hbm>>
      %dma_start3A_216 = tpu.memref_slice %arg3[%mul3A_7] : memref<160000xi32, #tpu.memory_space<hbm>> -> memref<5000xi32, #tpu.memory_space<hbm>>
      tpu.enqueue_dma source(%dma_start3A_216 : memref<5000xi32, #tpu.memory_space<hbm>>) target(%arg7 : memref<5000xi32, #tpu.memory_space<vmem>>) target_semaphore(%run_scoped3A : memref<!tpu.dma_semaphore, #tpu.memory_space<semaphore_mem>>)
      %dma_wait3A_217 = tpu.memref_slice %arg3[%mul3A_7] : memref<160000xi32, #tpu.memory_space<hbm>> -> memref<5000xi32, #tpu.memory_space<hbm>>
      %dma_wait3A_218 = tpu.memref_slice %arg3[%mul3A_7] : memref<160000xi32, #tpu.memory_space<hbm>> -> memref<5000xi32, #tpu.memory_space<hbm>>
      tpu.wait_dma2 semaphore(%run_scoped3A : memref<!tpu.dma_semaphore, #tpu.memory_space<semaphore_mem>>) src(%dma_wait3A_218 : memref<5000xi32, #tpu.memory_space<hbm>>) dst(%arg7 : memref<5000xi32, #tpu.memory_space<vmem>>)
      tpu.yield
    }) : () -> ()
    %mul3A_8 = arith.constant 5000 : i32
    %mul3A_9 = arith.muli %add3A, %mul3A_8 : i32
    "tpu.region"() ({
      %run_scoped3A = tpu.sem_alloc : memref<!tpu.dma_semaphore, #tpu.memory_space<semaphore_mem>>
      %dma_start3A_215 = tpu.memref_slice %arg4[%mul3A_9] : memref<160000xi32, #tpu.memory_space<hbm>> -> memref<5000xi32, #tpu.memory_space<hbm>>
      %dma_start3A_216 = tpu.memref_slice %arg4[%mul3A_9] : memref<160000xi32, #tpu.memory_space<hbm>> -> memref<5000xi32, #tpu.memory_space<hbm>>
      tpu.enqueue_dma source(%dma_start3A_216 : memref<5000xi32, #tpu.memory_space<hbm>>) target(%arg8 : memref<5000xi32, #tpu.memory_space<vmem>>) target_semaphore(%run_scoped3A : memref<!tpu.dma_semaphore, #tpu.memory_space<semaphore_mem>>)
      %dma_wait3A_217 = tpu.memref_slice %arg4[%mul3A_9] : memref<160000xi32, #tpu.memory_space<hbm>> -> memref<5000xi32, #tpu.memory_space<hbm>>
      %dma_wait3A_218 = tpu.memref_slice %arg4[%mul3A_9] : memref<160000xi32, #tpu.memory_space<hbm>> -> memref<5000xi32, #tpu.memory_space<hbm>>
      tpu.wait_dma2 semaphore(%run_scoped3A : memref<!tpu.dma_semaphore, #tpu.memory_space<semaphore_mem>>) src(%dma_wait3A_218 : memref<5000xi32, #tpu.memory_space<hbm>>) dst(%arg8 : memref<5000xi32, #tpu.memory_space<vmem>>)
      tpu.yield
    }) : () -> ()
    %barrier3A = arith.constant 0 : index
    tpu.barrier barrier_id(%barrier3A)
    %dma_start3A = arith.constant 0 : i32
    %dma_start3A_10 = arith.constant 0 : i32
    %dma_start3A_11 = arith.constant 0 : i32
    %dma_start3A_12 = tpu.memref_slice %arg9[%dma_start3A, %dma_start3A_10, %dma_start3A_11] : memref<5x1000x32xbf16, #tpu.memory_space<vmem>> -> memref<1x1000x32xbf16, #tpu.memory_space<vmem>>
    %dma_start3A_13 = tpu.memref_squeeze %dma_start3A_12 : memref<1x1000x32xbf16, #tpu.memory_space<vmem>> -> memref<1000x32xbf16, #tpu.memory_space<vmem>>
    %dma_start3A_14 = arith.constant 0 : i32
    %dma_start3A_15 = tpu.memref_slice %arg7[%dma_start3A_14] : memref<5000xi32, #tpu.memory_space<vmem>> -> memref<1000xi32, #tpu.memory_space<vmem>>
    %dma_start3A_16 = arith.constant 0 : i32
    %dma_start3A_17 = arith.constant 0 : i32
    %dma_start3A_18 = tpu.memref_slice %arg2[%dma_start3A_16, %dma_start3A_17] : memref<10000x32xbf16, #tpu.memory_space<hbm>> -> memref<10000x32xbf16, #tpu.memory_space<hbm>>
    tpu.enqueue_indirect_dma source(%dma_start3A_18 : memref<10000x32xbf16, #tpu.memory_space<hbm>>) target(%dma_start3A_13 : memref<1000x32xbf16, #tpu.memory_space<vmem>>) offsets(%dma_start3A_15 : memref<1000xi32, #tpu.memory_space<vmem>>) semaphore(%arg11 : memref<!tpu.dma_semaphore, #tpu.memory_space<semaphore_mem>>)
    %dma_start3A_19 = arith.constant 1 : i32
    %dma_start3A_20 = arith.constant 0 : i32
    %dma_start3A_21 = arith.constant 0 : i32
    %dma_start3A_22 = tpu.memref_slice %arg9[%dma_start3A_19, %dma_start3A_20, %dma_start3A_21] : memref<5x1000x32xbf16, #tpu.memory_space<vmem>> -> memref<1x1000x32xbf16, #tpu.memory_space<vmem>>
    %dma_start3A_23 = tpu.memref_squeeze %dma_start3A_22 : memref<1x1000x32xbf16, #tpu.memory_space<vmem>> -> memref<1000x32xbf16, #tpu.memory_space<vmem>>
    %dma_start3A_24 = arith.constant 1000 : i32
    %dma_start3A_25 = tpu.memref_slice %arg7[%dma_start3A_24] : memref<5000xi32, #tpu.memory_space<vmem>> -> memref<1000xi32, #tpu.memory_space<vmem>>
    %dma_start3A_26 = arith.constant 0 : i32
    %dma_start3A_27 = arith.constant 0 : i32
    %dma_start3A_28 = tpu.memref_slice %arg2[%dma_start3A_26, %dma_start3A_27] : memref<10000x32xbf16, #tpu.memory_space<hbm>> -> memref<10000x32xbf16, #tpu.memory_space<hbm>>
    tpu.enqueue_indirect_dma source(%dma_start3A_28 : memref<10000x32xbf16, #tpu.memory_space<hbm>>) target(%dma_start3A_23 : memref<1000x32xbf16, #tpu.memory_space<vmem>>) offsets(%dma_start3A_25 : memref<1000xi32, #tpu.memory_space<vmem>>) semaphore(%arg11 : memref<!tpu.dma_semaphore, #tpu.memory_space<semaphore_mem>>)
    %dma_start3A_29 = arith.constant 2 : i32
    %dma_start3A_30 = arith.constant 0 : i32
    %dma_start3A_31 = arith.constant 0 : i32
    %dma_start3A_32 = tpu.memref_slice %arg9[%dma_start3A_29, %dma_start3A_30, %dma_start3A_31] : memref<5x1000x32xbf16, #tpu.memory_space<vmem>> -> memref<1x1000x32xbf16, #tpu.memory_space<vmem>>
    %dma_start3A_33 = tpu.memref_squeeze %dma_start3A_32 : memref<1x1000x32xbf16, #tpu.memory_space<vmem>> -> memref<1000x32xbf16, #tpu.memory_space<vmem>>
    %dma_start3A_34 = arith.constant 2000 : i32
    %dma_start3A_35 = tpu.memref_slice %arg7[%dma_start3A_34] : memref<5000xi32, #tpu.memory_space<vmem>> -> memref<1000xi32, #tpu.memory_space<vmem>>
    %dma_start3A_36 = arith.constant 0 : i32
    %dma_start3A_37 = arith.constant 0 : i32
    %dma_start3A_38 = tpu.memref_slice %arg2[%dma_start3A_36, %dma_start3A_37] : memref<10000x32xbf16, #tpu.memory_space<hbm>> -> memref<10000x32xbf16, #tpu.memory_space<hbm>>
    tpu.enqueue_indirect_dma source(%dma_start3A_38 : memref<10000x32xbf16, #tpu.memory_space<hbm>>) target(%dma_start3A_33 : memref<1000x32xbf16, #tpu.memory_space<vmem>>) offsets(%dma_start3A_35 : memref<1000xi32, #tpu.memory_space<vmem>>) semaphore(%arg11 : memref<!tpu.dma_semaphore, #tpu.memory_space<semaphore_mem>>)
    %dma_start3A_39 = arith.constant 3 : i32
    %dma_start3A_40 = arith.constant 0 : i32
    %dma_start3A_41 = arith.constant 0 : i32
    %dma_start3A_42 = tpu.memref_slice %arg9[%dma_start3A_39, %dma_start3A_40, %dma_start3A_41] : memref<5x1000x32xbf16, #tpu.memory_space<vmem>> -> memref<1x1000x32xbf16, #tpu.memory_space<vmem>>
    %dma_start3A_43 = tpu.memref_squeeze %dma_start3A_42 : memref<1x1000x32xbf16, #tpu.memory_space<vmem>> -> memref<1000x32xbf16, #tpu.memory_space<vmem>>
    %dma_start3A_44 = arith.constant 3000 : i32
    %dma_start3A_45 = tpu.memref_slice %arg7[%dma_start3A_44] : memref<5000xi32, #tpu.memory_space<vmem>> -> memref<1000xi32, #tpu.memory_space<vmem>>
    %dma_start3A_46 = arith.constant 0 : i32
    %dma_start3A_47 = arith.constant 0 : i32
    %dma_start3A_48 = tpu.memref_slice %arg2[%dma_start3A_46, %dma_start3A_47] : memref<10000x32xbf16, #tpu.memory_space<hbm>> -> memref<10000x32xbf16, #tpu.memory_space<hbm>>
    tpu.enqueue_indirect_dma source(%dma_start3A_48 : memref<10000x32xbf16, #tpu.memory_space<hbm>>) target(%dma_start3A_43 : memref<1000x32xbf16, #tpu.memory_space<vmem>>) offsets(%dma_start3A_45 : memref<1000xi32, #tpu.memory_space<vmem>>) semaphore(%arg11 : memref<!tpu.dma_semaphore, #tpu.memory_space<semaphore_mem>>)
    %dma_start3A_49 = arith.constant 4 : i32
    %dma_start3A_50 = arith.constant 0 : i32
    %dma_start3A_51 = arith.constant 0 : i32
    %dma_start3A_52 = tpu.memref_slice %arg9[%dma_start3A_49, %dma_start3A_50, %dma_start3A_51] : memref<5x1000x32xbf16, #tpu.memory_space<vmem>> -> memref<1x1000x32xbf16, #tpu.memory_space<vmem>>
    %dma_start3A_53 = tpu.memref_squeeze %dma_start3A_52 : memref<1x1000x32xbf16, #tpu.memory_space<vmem>> -> memref<1000x32xbf16, #tpu.memory_space<vmem>>
    %dma_start3A_54 = arith.constant 4000 : i32
    %dma_start3A_55 = tpu.memref_slice %arg7[%dma_start3A_54] : memref<5000xi32, #tpu.memory_space<vmem>> -> memref<1000xi32, #tpu.memory_space<vmem>>
    %dma_start3A_56 = arith.constant 0 : i32
    %dma_start3A_57 = arith.constant 0 : i32
    %dma_start3A_58 = tpu.memref_slice %arg2[%dma_start3A_56, %dma_start3A_57] : memref<10000x32xbf16, #tpu.memory_space<hbm>> -> memref<10000x32xbf16, #tpu.memory_space<hbm>>
    tpu.enqueue_indirect_dma source(%dma_start3A_58 : memref<10000x32xbf16, #tpu.memory_space<hbm>>) target(%dma_start3A_53 : memref<1000x32xbf16, #tpu.memory_space<vmem>>) offsets(%dma_start3A_55 : memref<1000xi32, #tpu.memory_space<vmem>>) semaphore(%arg11 : memref<!tpu.dma_semaphore, #tpu.memory_space<semaphore_mem>>)
    %dma_wait3A = arith.constant 0 : i32
    %dma_wait3A_59 = arith.constant 0 : i32
    %dma_wait3A_60 = arith.constant 0 : i32
    %dma_wait3A_61 = tpu.memref_slice %arg9[%dma_wait3A, %dma_wait3A_59, %dma_wait3A_60] : memref<5x1000x32xbf16, #tpu.memory_space<vmem>> -> memref<1x1000x32xbf16, #tpu.memory_space<vmem>>
    %dma_wait3A_62 = tpu.memref_squeeze %dma_wait3A_61 : memref<1x1000x32xbf16, #tpu.memory_space<vmem>> -> memref<1000x32xbf16, #tpu.memory_space<vmem>>
    %dma_wait3A_63 = arith.constant 0 : i32
    %dma_wait3A_64 = tpu.memref_slice %arg7[%dma_wait3A_63] : memref<5000xi32, #tpu.memory_space<vmem>> -> memref<1000xi32, #tpu.memory_space<vmem>>
    %dma_wait3A_65 = arith.constant 0 : i32
    %dma_wait3A_66 = arith.constant 0 : i32
    %dma_wait3A_67 = tpu.memref_slice %arg2[%dma_wait3A_65, %dma_wait3A_66] : memref<10000x32xbf16, #tpu.memory_space<hbm>> -> memref<10000x32xbf16, #tpu.memory_space<hbm>>
    tpu.wait_indirect_dma semaphore(%arg11 : memref<!tpu.dma_semaphore, #tpu.memory_space<semaphore_mem>>) src(%dma_wait3A_67 : memref<10000x32xbf16, #tpu.memory_space<hbm>>) dst(%dma_wait3A_62 : memref<1000x32xbf16, #tpu.memory_space<vmem>>)
    %dma_start3A_68 = arith.constant 0 : i32
    %dma_start3A_69 = arith.constant 0 : i32
    %dma_start3A_70 = arith.constant 0 : i32
    %dma_start3A_71 = tpu.memref_slice %arg9[%dma_start3A_68, %dma_start3A_69, %dma_start3A_70] : memref<5x1000x32xbf16, #tpu.memory_space<vmem>> -> memref<1x1000x32xbf16, #tpu.memory_space<vmem>>
    %dma_start3A_72 = tpu.memref_squeeze %dma_start3A_71 : memref<1x1000x32xbf16, #tpu.memory_space<vmem>> -> memref<1000x32xbf16, #tpu.memory_space<vmem>>
    %dma_start3A_73 = arith.constant 0 : i32
    %dma_start3A_74 = tpu.memref_slice %arg8[%dma_start3A_73] : memref<5000xi32, #tpu.memory_space<vmem>> -> memref<1000xi32, #tpu.memory_space<vmem>>
    %dma_start3A_75 = arith.constant 0 : i32
    %dma_start3A_76 = arith.constant 0 : i32
    %dma_start3A_77 = tpu.memref_slice %arg10[%dma_start3A_75, %dma_start3A_76] : memref<10112x32xbf16, #tpu.memory_space<vmem_shared>> -> memref<10112x32xbf16, #tpu.memory_space<vmem_shared>>
    tpu.enqueue_indirect_dma source(%dma_start3A_72 : memref<1000x32xbf16, #tpu.memory_space<vmem>>) target(%dma_start3A_77 : memref<10112x32xbf16, #tpu.memory_space<vmem_shared>>) offsets(%dma_start3A_74 : memref<1000xi32, #tpu.memory_space<vmem>>) semaphore(%arg12 : memref<!tpu.dma_semaphore, #tpu.memory_space<semaphore_mem>>) {add = true}
    %dma_wait3A_78 = arith.constant 1 : i32
    %dma_wait3A_79 = arith.constant 0 : i32
    %dma_wait3A_80 = arith.constant 0 : i32
    %dma_wait3A_81 = tpu.memref_slice %arg9[%dma_wait3A_78, %dma_wait3A_79, %dma_wait3A_80] : memref<5x1000x32xbf16, #tpu.memory_space<vmem>> -> memref<1x1000x32xbf16, #tpu.memory_space<vmem>>
    %dma_wait3A_82 = tpu.memref_squeeze %dma_wait3A_81 : memref<1x1000x32xbf16, #tpu.memory_space<vmem>> -> memref<1000x32xbf16, #tpu.memory_space<vmem>>
    %dma_wait3A_83 = arith.constant 1000 : i32
    %dma_wait3A_84 = tpu.memref_slice %arg7[%dma_wait3A_83] : memref<5000xi32, #tpu.memory_space<vmem>> -> memref<1000xi32, #tpu.memory_space<vmem>>
    %dma_wait3A_85 = arith.constant 0 : i32
    %dma_wait3A_86 = arith.constant 0 : i32
    %dma_wait3A_87 = tpu.memref_slice %arg2[%dma_wait3A_85, %dma_wait3A_86] : memref<10000x32xbf16, #tpu.memory_space<hbm>> -> memref<10000x32xbf16, #tpu.memory_space<hbm>>
    tpu.wait_indirect_dma semaphore(%arg11 : memref<!tpu.dma_semaphore, #tpu.memory_space<semaphore_mem>>) src(%dma_wait3A_87 : memref<10000x32xbf16, #tpu.memory_space<hbm>>) dst(%dma_wait3A_82 : memref<1000x32xbf16, #tpu.memory_space<vmem>>)
    %dma_start3A_88 = arith.constant 1 : i32
    %dma_start3A_89 = arith.constant 0 : i32
    %dma_start3A_90 = arith.constant 0 : i32
    %dma_start3A_91 = tpu.memref_slice %arg9[%dma_start3A_88, %dma_start3A_89, %dma_start3A_90] : memref<5x1000x32xbf16, #tpu.memory_space<vmem>> -> memref<1x1000x32xbf16, #tpu.memory_space<vmem>>
    %dma_start3A_92 = tpu.memref_squeeze %dma_start3A_91 : memref<1x1000x32xbf16, #tpu.memory_space<vmem>> -> memref<1000x32xbf16, #tpu.memory_space<vmem>>
    %dma_start3A_93 = arith.constant 1000 : i32
    %dma_start3A_94 = tpu.memref_slice %arg8[%dma_start3A_93] : memref<5000xi32, #tpu.memory_space<vmem>> -> memref<1000xi32, #tpu.memory_space<vmem>>
    %dma_start3A_95 = arith.constant 0 : i32
    %dma_start3A_96 = arith.constant 0 : i32
    %dma_start3A_97 = tpu.memref_slice %arg10[%dma_start3A_95, %dma_start3A_96] : memref<10112x32xbf16, #tpu.memory_space<vmem_shared>> -> memref<10112x32xbf16, #tpu.memory_space<vmem_shared>>
    tpu.enqueue_indirect_dma source(%dma_start3A_92 : memref<1000x32xbf16, #tpu.memory_space<vmem>>) target(%dma_start3A_97 : memref<10112x32xbf16, #tpu.memory_space<vmem_shared>>) offsets(%dma_start3A_94 : memref<1000xi32, #tpu.memory_space<vmem>>) semaphore(%arg12 : memref<!tpu.dma_semaphore, #tpu.memory_space<semaphore_mem>>) {add = true}
    %dma_wait3A_98 = arith.constant 2 : i32
    %dma_wait3A_99 = arith.constant 0 : i32
    %dma_wait3A_100 = arith.constant 0 : i32
    %dma_wait3A_101 = tpu.memref_slice %arg9[%dma_wait3A_98, %dma_wait3A_99, %dma_wait3A_100] : memref<5x1000x32xbf16, #tpu.memory_space<vmem>> -> memref<1x1000x32xbf16, #tpu.memory_space<vmem>>
    %dma_wait3A_102 = tpu.memref_squeeze %dma_wait3A_101 : memref<1x1000x32xbf16, #tpu.memory_space<vmem>> -> memref<1000x32xbf16, #tpu.memory_space<vmem>>
    %dma_wait3A_103 = arith.constant 2000 : i32
    %dma_wait3A_104 = tpu.memref_slice %arg7[%dma_wait3A_103] : memref<5000xi32, #tpu.memory_space<vmem>> -> memref<1000xi32, #tpu.memory_space<vmem>>
    %dma_wait3A_105 = arith.constant 0 : i32
    %dma_wait3A_106 = arith.constant 0 : i32
    %dma_wait3A_107 = tpu.memref_slice %arg2[%dma_wait3A_105, %dma_wait3A_106] : memref<10000x32xbf16, #tpu.memory_space<hbm>> -> memref<10000x32xbf16, #tpu.memory_space<hbm>>
    tpu.wait_indirect_dma semaphore(%arg11 : memref<!tpu.dma_semaphore, #tpu.memory_space<semaphore_mem>>) src(%dma_wait3A_107 : memref<10000x32xbf16, #tpu.memory_space<hbm>>) dst(%dma_wait3A_102 : memref<1000x32xbf16, #tpu.memory_space<vmem>>)
    %dma_start3A_108 = arith.constant 2 : i32
    %dma_start3A_109 = arith.constant 0 : i32
    %dma_start3A_110 = arith.constant 0 : i32
    %dma_start3A_111 = tpu.memref_slice %arg9[%dma_start3A_108, %dma_start3A_109, %dma_start3A_110] : memref<5x1000x32xbf16, #tpu.memory_space<vmem>> -> memref<1x1000x32xbf16, #tpu.memory_space<vmem>>
    %dma_start3A_112 = tpu.memref_squeeze %dma_start3A_111 : memref<1x1000x32xbf16, #tpu.memory_space<vmem>> -> memref<1000x32xbf16, #tpu.memory_space<vmem>>
    %dma_start3A_113 = arith.constant 2000 : i32
    %dma_start3A_114 = tpu.memref_slice %arg8[%dma_start3A_113] : memref<5000xi32, #tpu.memory_space<vmem>> -> memref<1000xi32, #tpu.memory_space<vmem>>
    %dma_start3A_115 = arith.constant 0 : i32
    %dma_start3A_116 = arith.constant 0 : i32
    %dma_start3A_117 = tpu.memref_slice %arg10[%dma_start3A_115, %dma_start3A_116] : memref<10112x32xbf16, #tpu.memory_space<vmem_shared>> -> memref<10112x32xbf16, #tpu.memory_space<vmem_shared>>
    tpu.enqueue_indirect_dma source(%dma_start3A_112 : memref<1000x32xbf16, #tpu.memory_space<vmem>>) target(%dma_start3A_117 : memref<10112x32xbf16, #tpu.memory_space<vmem_shared>>) offsets(%dma_start3A_114 : memref<1000xi32, #tpu.memory_space<vmem>>) semaphore(%arg12 : memref<!tpu.dma_semaphore, #tpu.memory_space<semaphore_mem>>) {add = true}
    %dma_wait3A_118 = arith.constant 3 : i32
    %dma_wait3A_119 = arith.constant 0 : i32
    %dma_wait3A_120 = arith.constant 0 : i32
    %dma_wait3A_121 = tpu.memref_slice %arg9[%dma_wait3A_118, %dma_wait3A_119, %dma_wait3A_120] : memref<5x1000x32xbf16, #tpu.memory_space<vmem>> -> memref<1x1000x32xbf16, #tpu.memory_space<vmem>>
    %dma_wait3A_122 = tpu.memref_squeeze %dma_wait3A_121 : memref<1x1000x32xbf16, #tpu.memory_space<vmem>> -> memref<1000x32xbf16, #tpu.memory_space<vmem>>
    %dma_wait3A_123 = arith.constant 3000 : i32
    %dma_wait3A_124 = tpu.memref_slice %arg7[%dma_wait3A_123] : memref<5000xi32, #tpu.memory_space<vmem>> -> memref<1000xi32, #tpu.memory_space<vmem>>
    %dma_wait3A_125 = arith.constant 0 : i32
    %dma_wait3A_126 = arith.constant 0 : i32
    %dma_wait3A_127 = tpu.memref_slice %arg2[%dma_wait3A_125, %dma_wait3A_126] : memref<10000x32xbf16, #tpu.memory_space<hbm>> -> memref<10000x32xbf16, #tpu.memory_space<hbm>>
    tpu.wait_indirect_dma semaphore(%arg11 : memref<!tpu.dma_semaphore, #tpu.memory_space<semaphore_mem>>) src(%dma_wait3A_127 : memref<10000x32xbf16, #tpu.memory_space<hbm>>) dst(%dma_wait3A_122 : memref<1000x32xbf16, #tpu.memory_space<vmem>>)
    %dma_start3A_128 = arith.constant 3 : i32
    %dma_start3A_129 = arith.constant 0 : i32
    %dma_start3A_130 = arith.constant 0 : i32
    %dma_start3A_131 = tpu.memref_slice %arg9[%dma_start3A_128, %dma_start3A_129, %dma_start3A_130] : memref<5x1000x32xbf16, #tpu.memory_space<vmem>> -> memref<1x1000x32xbf16, #tpu.memory_space<vmem>>
    %dma_start3A_132 = tpu.memref_squeeze %dma_start3A_131 : memref<1x1000x32xbf16, #tpu.memory_space<vmem>> -> memref<1000x32xbf16, #tpu.memory_space<vmem>>
    %dma_start3A_133 = arith.constant 3000 : i32
    %dma_start3A_134 = tpu.memref_slice %arg8[%dma_start3A_133] : memref<5000xi32, #tpu.memory_space<vmem>> -> memref<1000xi32, #tpu.memory_space<vmem>>
    %dma_start3A_135 = arith.constant 0 : i32
    %dma_start3A_136 = arith.constant 0 : i32
    %dma_start3A_137 = tpu.memref_slice %arg10[%dma_start3A_135, %dma_start3A_136] : memref<10112x32xbf16, #tpu.memory_space<vmem_shared>> -> memref<10112x32xbf16, #tpu.memory_space<vmem_shared>>
    tpu.enqueue_indirect_dma source(%dma_start3A_132 : memref<1000x32xbf16, #tpu.memory_space<vmem>>) target(%dma_start3A_137 : memref<10112x32xbf16, #tpu.memory_space<vmem_shared>>) offsets(%dma_start3A_134 : memref<1000xi32, #tpu.memory_space<vmem>>) semaphore(%arg12 : memref<!tpu.dma_semaphore, #tpu.memory_space<semaphore_mem>>) {add = true}
    %dma_wait3A_138 = arith.constant 4 : i32
    %dma_wait3A_139 = arith.constant 0 : i32
    %dma_wait3A_140 = arith.constant 0 : i32
    %dma_wait3A_141 = tpu.memref_slice %arg9[%dma_wait3A_138, %dma_wait3A_139, %dma_wait3A_140] : memref<5x1000x32xbf16, #tpu.memory_space<vmem>> -> memref<1x1000x32xbf16, #tpu.memory_space<vmem>>
    %dma_wait3A_142 = tpu.memref_squeeze %dma_wait3A_141 : memref<1x1000x32xbf16, #tpu.memory_space<vmem>> -> memref<1000x32xbf16, #tpu.memory_space<vmem>>
    %dma_wait3A_143 = arith.constant 4000 : i32
    %dma_wait3A_144 = tpu.memref_slice %arg7[%dma_wait3A_143] : memref<5000xi32, #tpu.memory_space<vmem>> -> memref<1000xi32, #tpu.memory_space<vmem>>
    %dma_wait3A_145 = arith.constant 0 : i32
    %dma_wait3A_146 = arith.constant 0 : i32
    %dma_wait3A_147 = tpu.memref_slice %arg2[%dma_wait3A_145, %dma_wait3A_146] : memref<10000x32xbf16, #tpu.memory_space<hbm>> -> memref<10000x32xbf16, #tpu.memory_space<hbm>>
    tpu.wait_indirect_dma semaphore(%arg11 : memref<!tpu.dma_semaphore, #tpu.memory_space<semaphore_mem>>) src(%dma_wait3A_147 : memref<10000x32xbf16, #tpu.memory_space<hbm>>) dst(%dma_wait3A_142 : memref<1000x32xbf16, #tpu.memory_space<vmem>>)
    %dma_start3A_148 = arith.constant 4 : i32
    %dma_start3A_149 = arith.constant 0 : i32
    %dma_start3A_150 = arith.constant 0 : i32
    %dma_start3A_151 = tpu.memref_slice %arg9[%dma_start3A_148, %dma_start3A_149, %dma_start3A_150] : memref<5x1000x32xbf16, #tpu.memory_space<vmem>> -> memref<1x1000x32xbf16, #tpu.memory_space<vmem>>
    %dma_start3A_152 = tpu.memref_squeeze %dma_start3A_151 : memref<1x1000x32xbf16, #tpu.memory_space<vmem>> -> memref<1000x32xbf16, #tpu.memory_space<vmem>>
    %dma_start3A_153 = arith.constant 4000 : i32
    %dma_start3A_154 = tpu.memref_slice %arg8[%dma_start3A_153] : memref<5000xi32, #tpu.memory_space<vmem>> -> memref<1000xi32, #tpu.memory_space<vmem>>
    %dma_start3A_155 = arith.constant 0 : i32
    %dma_start3A_156 = arith.constant 0 : i32
    %dma_start3A_157 = tpu.memref_slice %arg10[%dma_start3A_155, %dma_start3A_156] : memref<10112x32xbf16, #tpu.memory_space<vmem_shared>> -> memref<10112x32xbf16, #tpu.memory_space<vmem_shared>>
    tpu.enqueue_indirect_dma source(%dma_start3A_152 : memref<1000x32xbf16, #tpu.memory_space<vmem>>) target(%dma_start3A_157 : memref<10112x32xbf16, #tpu.memory_space<vmem_shared>>) offsets(%dma_start3A_154 : memref<1000xi32, #tpu.memory_space<vmem>>) semaphore(%arg12 : memref<!tpu.dma_semaphore, #tpu.memory_space<semaphore_mem>>) {add = true}
    %dma_wait3A_158 = arith.constant 0 : i32
    %dma_wait3A_159 = arith.constant 0 : i32
    %dma_wait3A_160 = arith.constant 0 : i32
    %dma_wait3A_161 = tpu.memref_slice %arg9[%dma_wait3A_158, %dma_wait3A_159, %dma_wait3A_160] : memref<5x1000x32xbf16, #tpu.memory_space<vmem>> -> memref<1x1000x32xbf16, #tpu.memory_space<vmem>>
    %dma_wait3A_162 = tpu.memref_squeeze %dma_wait3A_161 : memref<1x1000x32xbf16, #tpu.memory_space<vmem>> -> memref<1000x32xbf16, #tpu.memory_space<vmem>>
    %dma_wait3A_163 = arith.constant 0 : i32
    %dma_wait3A_164 = tpu.memref_slice %arg8[%dma_wait3A_163] : memref<5000xi32, #tpu.memory_space<vmem>> -> memref<1000xi32, #tpu.memory_space<vmem>>
    %dma_wait3A_165 = arith.constant 0 : i32
    %dma_wait3A_166 = arith.constant 0 : i32
    %dma_wait3A_167 = tpu.memref_slice %arg10[%dma_wait3A_165, %dma_wait3A_166] : memref<10112x32xbf16, #tpu.memory_space<vmem_shared>> -> memref<10112x32xbf16, #tpu.memory_space<vmem_shared>>
    tpu.wait_indirect_dma semaphore(%arg12 : memref<!tpu.dma_semaphore, #tpu.memory_space<semaphore_mem>>) src(%dma_wait3A_162 : memref<1000x32xbf16, #tpu.memory_space<vmem>>) dst(%dma_wait3A_167 : memref<10112x32xbf16, #tpu.memory_space<vmem_shared>>)
    %dma_wait3A_168 = arith.constant 1 : i32
    %dma_wait3A_169 = arith.constant 0 : i32
    %dma_wait3A_170 = arith.constant 0 : i32
    %dma_wait3A_171 = tpu.memref_slice %arg9[%dma_wait3A_168, %dma_wait3A_169, %dma_wait3A_170] : memref<5x1000x32xbf16, #tpu.memory_space<vmem>> -> memref<1x1000x32xbf16, #tpu.memory_space<vmem>>
    %dma_wait3A_172 = tpu.memref_squeeze %dma_wait3A_171 : memref<1x1000x32xbf16, #tpu.memory_space<vmem>> -> memref<1000x32xbf16, #tpu.memory_space<vmem>>
    %dma_wait3A_173 = arith.constant 1000 : i32
    %dma_wait3A_174 = tpu.memref_slice %arg8[%dma_wait3A_173] : memref<5000xi32, #tpu.memory_space<vmem>> -> memref<1000xi32, #tpu.memory_space<vmem>>
    %dma_wait3A_175 = arith.constant 0 : i32
    %dma_wait3A_176 = arith.constant 0 : i32
    %dma_wait3A_177 = tpu.memref_slice %arg10[%dma_wait3A_175, %dma_wait3A_176] : memref<10112x32xbf16, #tpu.memory_space<vmem_shared>> -> memref<10112x32xbf16, #tpu.memory_space<vmem_shared>>
    tpu.wait_indirect_dma semaphore(%arg12 : memref<!tpu.dma_semaphore, #tpu.memory_space<semaphore_mem>>) src(%dma_wait3A_172 : memref<1000x32xbf16, #tpu.memory_space<vmem>>) dst(%dma_wait3A_177 : memref<10112x32xbf16, #tpu.memory_space<vmem_shared>>)
    %dma_wait3A_178 = arith.constant 2 : i32
    %dma_wait3A_179 = arith.constant 0 : i32
    %dma_wait3A_180 = arith.constant 0 : i32
    %dma_wait3A_181 = tpu.memref_slice %arg9[%dma_wait3A_178, %dma_wait3A_179, %dma_wait3A_180] : memref<5x1000x32xbf16, #tpu.memory_space<vmem>> -> memref<1x1000x32xbf16, #tpu.memory_space<vmem>>
    %dma_wait3A_182 = tpu.memref_squeeze %dma_wait3A_181 : memref<1x1000x32xbf16, #tpu.memory_space<vmem>> -> memref<1000x32xbf16, #tpu.memory_space<vmem>>
    %dma_wait3A_183 = arith.constant 2000 : i32
    %dma_wait3A_184 = tpu.memref_slice %arg8[%dma_wait3A_183] : memref<5000xi32, #tpu.memory_space<vmem>> -> memref<1000xi32, #tpu.memory_space<vmem>>
    %dma_wait3A_185 = arith.constant 0 : i32
    %dma_wait3A_186 = arith.constant 0 : i32
    %dma_wait3A_187 = tpu.memref_slice %arg10[%dma_wait3A_185, %dma_wait3A_186] : memref<10112x32xbf16, #tpu.memory_space<vmem_shared>> -> memref<10112x32xbf16, #tpu.memory_space<vmem_shared>>
    tpu.wait_indirect_dma semaphore(%arg12 : memref<!tpu.dma_semaphore, #tpu.memory_space<semaphore_mem>>) src(%dma_wait3A_182 : memref<1000x32xbf16, #tpu.memory_space<vmem>>) dst(%dma_wait3A_187 : memref<10112x32xbf16, #tpu.memory_space<vmem_shared>>)
    %dma_wait3A_188 = arith.constant 3 : i32
    %dma_wait3A_189 = arith.constant 0 : i32
    %dma_wait3A_190 = arith.constant 0 : i32
    %dma_wait3A_191 = tpu.memref_slice %arg9[%dma_wait3A_188, %dma_wait3A_189, %dma_wait3A_190] : memref<5x1000x32xbf16, #tpu.memory_space<vmem>> -> memref<1x1000x32xbf16, #tpu.memory_space<vmem>>
    %dma_wait3A_192 = tpu.memref_squeeze %dma_wait3A_191 : memref<1x1000x32xbf16, #tpu.memory_space<vmem>> -> memref<1000x32xbf16, #tpu.memory_space<vmem>>
    %dma_wait3A_193 = arith.constant 3000 : i32
    %dma_wait3A_194 = tpu.memref_slice %arg8[%dma_wait3A_193] : memref<5000xi32, #tpu.memory_space<vmem>> -> memref<1000xi32, #tpu.memory_space<vmem>>
    %dma_wait3A_195 = arith.constant 0 : i32
    %dma_wait3A_196 = arith.constant 0 : i32
    %dma_wait3A_197 = tpu.memref_slice %arg10[%dma_wait3A_195, %dma_wait3A_196] : memref<10112x32xbf16, #tpu.memory_space<vmem_shared>> -> memref<10112x32xbf16, #tpu.memory_space<vmem_shared>>
    tpu.wait_indirect_dma semaphore(%arg12 : memref<!tpu.dma_semaphore, #tpu.memory_space<semaphore_mem>>) src(%dma_wait3A_192 : memref<1000x32xbf16, #tpu.memory_space<vmem>>) dst(%dma_wait3A_197 : memref<10112x32xbf16, #tpu.memory_space<vmem_shared>>)
    %dma_wait3A_198 = arith.constant 4 : i32
    %dma_wait3A_199 = arith.constant 0 : i32
    %dma_wait3A_200 = arith.constant 0 : i32
    %dma_wait3A_201 = tpu.memref_slice %arg9[%dma_wait3A_198, %dma_wait3A_199, %dma_wait3A_200] : memref<5x1000x32xbf16, #tpu.memory_space<vmem>> -> memref<1x1000x32xbf16, #tpu.memory_space<vmem>>
    %dma_wait3A_202 = tpu.memref_squeeze %dma_wait3A_201 : memref<1x1000x32xbf16, #tpu.memory_space<vmem>> -> memref<1000x32xbf16, #tpu.memory_space<vmem>>
    %dma_wait3A_203 = arith.constant 4000 : i32
    %dma_wait3A_204 = tpu.memref_slice %arg8[%dma_wait3A_203] : memref<5000xi32, #tpu.memory_space<vmem>> -> memref<1000xi32, #tpu.memory_space<vmem>>
    %dma_wait3A_205 = arith.constant 0 : i32
    %dma_wait3A_206 = arith.constant 0 : i32
    %dma_wait3A_207 = tpu.memref_slice %arg10[%dma_wait3A_205, %dma_wait3A_206] : memref<10112x32xbf16, #tpu.memory_space<vmem_shared>> -> memref<10112x32xbf16, #tpu.memory_space<vmem_shared>>
    tpu.wait_indirect_dma semaphore(%arg12 : memref<!tpu.dma_semaphore, #tpu.memory_space<semaphore_mem>>) src(%dma_wait3A_202 : memref<1000x32xbf16, #tpu.memory_space<vmem>>) dst(%dma_wait3A_207 : memref<10112x32xbf16, #tpu.memory_space<vmem_shared>>)
    %barrier3A_208 = arith.constant 0 : index
    tpu.barrier barrier_id(%barrier3A_208)
    %mul3A_209 = arith.constant 632 : i32
    %mul3A_210 = arith.muli %arg1, %mul3A_209 : i32
    %multiple_of3A_211 = tpu.assume_multiple %mul3A_210, 8 : i32
    %mul3A_212 = arith.constant 632 : i32
    %mul3A_213 = arith.muli %arg1, %mul3A_212 : i32
    %multiple_of3A_214 = tpu.assume_multiple %mul3A_213, 8 : i32
    "tpu.region"() ({
      %run_scoped3A = tpu.sem_alloc : memref<!tpu.dma_semaphore, #tpu.memory_space<semaphore_mem>>
      %dma_start3A_215 = arith.constant 0 : i32
      %dma_start3A_216 = arith.constant 0 : i32
      %dma_start3A_217 = tpu.memref_slice %arg6[%arg0, %dma_start3A_215, %dma_start3A_216] : memref<2x10112x32xbf16, #tpu.memory_space<hbm>> -> memref<1x10112x32xbf16, #tpu.memory_space<hbm>>
      %dma_start3A_218 = tpu.memref_squeeze %dma_start3A_217 : memref<1x10112x32xbf16, #tpu.memory_space<hbm>> -> memref<10112x32xbf16, #tpu.memory_space<hbm>>
      %dma_start3A_219 = arith.constant 0 : i32
      %dma_start3A_220 = tpu.memref_slice %dma_start3A_218[%multiple_of3A_214, %dma_start3A_219] : memref<10112x32xbf16, #tpu.memory_space<hbm>> -> memref<632x32xbf16, #tpu.memory_space<hbm>>
      %dma_start3A_221 = arith.constant 0 : i32
      %dma_start3A_222 = tpu.memref_slice %arg10[%multiple_of3A_211, %dma_start3A_221] : memref<10112x32xbf16, #tpu.memory_space<vmem_shared>> -> memref<632x32xbf16, #tpu.memory_space<vmem_shared>>
      tpu.enqueue_dma source(%dma_start3A_222 : memref<632x32xbf16, #tpu.memory_space<vmem_shared>>) target(%dma_start3A_220 : memref<632x32xbf16, #tpu.memory_space<hbm>>) target_semaphore(%run_scoped3A : memref<!tpu.dma_semaphore, #tpu.memory_space<semaphore_mem>>)
      %dma_wait3A_223 = arith.constant 0 : i32
      %dma_wait3A_224 = arith.constant 0 : i32
      %dma_wait3A_225 = tpu.memref_slice %arg6[%arg0, %dma_wait3A_223, %dma_wait3A_224] : memref<2x10112x32xbf16, #tpu.memory_space<hbm>> -> memref<1x10112x32xbf16, #tpu.memory_space<hbm>>
      %dma_wait3A_226 = tpu.memref_squeeze %dma_wait3A_225 : memref<1x10112x32xbf16, #tpu.memory_space<hbm>> -> memref<10112x32xbf16, #tpu.memory_space<hbm>>
      %dma_wait3A_227 = arith.constant 0 : i32
      %dma_wait3A_228 = tpu.memref_slice %dma_wait3A_226[%multiple_of3A_214, %dma_wait3A_227] : memref<10112x32xbf16, #tpu.memory_space<hbm>> -> memref<632x32xbf16, #tpu.memory_space<hbm>>
      %dma_wait3A_229 = arith.constant 0 : i32
      %dma_wait3A_230 = tpu.memref_slice %arg10[%multiple_of3A_211, %dma_wait3A_229] : memref<10112x32xbf16, #tpu.memory_space<vmem_shared>> -> memref<632x32xbf16, #tpu.memory_space<vmem_shared>>
      tpu.wait_dma2 semaphore(%run_scoped3A : memref<!tpu.dma_semaphore, #tpu.memory_space<semaphore_mem>>) src(%dma_wait3A_230 : memref<632x32xbf16, #tpu.memory_space<vmem_shared>>) dst(%dma_wait3A_228 : memref<632x32xbf16, #tpu.memory_space<hbm>>)
      tpu.yield
    }) : () -> ()
    return
  }
}

#map = affine_map<(d0, d1) -> (0, 0)>
#map1 = affine_map<(d0, d1) -> (0)>
#map2 = affine_map<(d0, d1) -> (0, 0, 0)>
module attributes {stable_mosaic.version = 14 : i64} {
  func.func @k(%arg0: i32, %arg1: i32, %arg2: memref<1000x8xf32, #tpu.memory_space<hbm>>, %arg3: memref<160000xi32, #tpu.memory_space<hbm>>, %arg4: memref<10112x8xf32, #tpu.memory_space<hbm>>, %arg5: memref<2x10112x8xf32, #tpu.memory_space<hbm>>, %arg6: memref<5000xi32, #tpu.memory_space<vmem>>, %arg7: memref<1000x8xf32, #tpu.memory_space<vmem>>, %arg8: memref<10112x8xf32, #tpu.memory_space<vmem_shared>>, %arg9: memref<!tpu.dma_semaphore, #tpu.memory_space<semaphore_mem>>) attributes {dimension_semantics = [#tpu.dimension_semantics<core_parallel>, #tpu.dimension_semantics<subcore_parallel>], iteration_bounds = array<i64: 2, 16>, scalar_prefetch = 0 : i64, scratch_operands = 4 : i64, tpu.core_type = #tpu.core_type<sc_vector_subcore>, window_params = [{transform_indices = #map}, {transform_indices = #map1}, {transform_indices = #map}, {transform_indices = #map2}]} {
    %mul3A = arith.constant 16 : i32
    %mul3A_0 = arith.muli %arg0, %mul3A : i32
    %add3A = arith.addi %mul3A_0, %arg1 : i32
    %mul3A_1 = arith.constant 632 : i32
    %mul3A_2 = arith.muli %arg1, %mul3A_1 : i32
    %multiple_of3A = tpu.assume_multiple %mul3A_2, 8 : i32
    %mul3A_3 = arith.constant 632 : i32
    %mul3A_4 = arith.muli %arg1, %mul3A_3 : i32
    %multiple_of3A_5 = tpu.assume_multiple %mul3A_4, 8 : i32
    "tpu.region"() ({
      %run_scoped3A = tpu.sem_alloc : memref<!tpu.dma_semaphore, #tpu.memory_space<semaphore_mem>>
      %dma_start3A_63 = arith.constant 0 : i32
      %dma_start3A_64 = tpu.memref_slice %arg8[%multiple_of3A_5, %dma_start3A_63] : memref<10112x8xf32, #tpu.memory_space<vmem_shared>> -> memref<632x8xf32, #tpu.memory_space<vmem_shared>>
      %dma_start3A_65 = arith.constant 0 : i32
      %dma_start3A_66 = tpu.memref_slice %arg4[%multiple_of3A, %dma_start3A_65] : memref<10112x8xf32, #tpu.memory_space<hbm>> -> memref<632x8xf32, #tpu.memory_space<hbm>>
      tpu.enqueue_dma source(%dma_start3A_66 : memref<632x8xf32, #tpu.memory_space<hbm>>) target(%dma_start3A_64 : memref<632x8xf32, #tpu.memory_space<vmem_shared>>) target_semaphore(%run_scoped3A : memref<!tpu.dma_semaphore, #tpu.memory_space<semaphore_mem>>)
      %dma_wait3A_67 = arith.constant 0 : i32
      %dma_wait3A_68 = tpu.memref_slice %arg8[%multiple_of3A_5, %dma_wait3A_67] : memref<10112x8xf32, #tpu.memory_space<vmem_shared>> -> memref<632x8xf32, #tpu.memory_space<vmem_shared>>
      %dma_wait3A_69 = arith.constant 0 : i32
      %dma_wait3A_70 = tpu.memref_slice %arg4[%multiple_of3A, %dma_wait3A_69] : memref<10112x8xf32, #tpu.memory_space<hbm>> -> memref<632x8xf32, #tpu.memory_space<hbm>>
      tpu.wait_dma2 semaphore(%run_scoped3A : memref<!tpu.dma_semaphore, #tpu.memory_space<semaphore_mem>>) src(%dma_wait3A_70 : memref<632x8xf32, #tpu.memory_space<hbm>>) dst(%dma_wait3A_68 : memref<632x8xf32, #tpu.memory_space<vmem_shared>>)
      tpu.yield
    }) : () -> ()
    %mul3A_6 = arith.constant 5000 : i32
    %mul3A_7 = arith.muli %add3A, %mul3A_6 : i32
    "tpu.region"() ({
      %run_scoped3A = tpu.sem_alloc : memref<!tpu.dma_semaphore, #tpu.memory_space<semaphore_mem>>
      %dma_start3A_63 = tpu.memref_slice %arg3[%mul3A_7] : memref<160000xi32, #tpu.memory_space<hbm>> -> memref<5000xi32, #tpu.memory_space<hbm>>
      %dma_start3A_64 = tpu.memref_slice %arg3[%mul3A_7] : memref<160000xi32, #tpu.memory_space<hbm>> -> memref<5000xi32, #tpu.memory_space<hbm>>
      tpu.enqueue_dma source(%dma_start3A_64 : memref<5000xi32, #tpu.memory_space<hbm>>) target(%arg6 : memref<5000xi32, #tpu.memory_space<vmem>>) target_semaphore(%run_scoped3A : memref<!tpu.dma_semaphore, #tpu.memory_space<semaphore_mem>>)
      %dma_wait3A_65 = tpu.memref_slice %arg3[%mul3A_7] : memref<160000xi32, #tpu.memory_space<hbm>> -> memref<5000xi32, #tpu.memory_space<hbm>>
      %dma_wait3A_66 = tpu.memref_slice %arg3[%mul3A_7] : memref<160000xi32, #tpu.memory_space<hbm>> -> memref<5000xi32, #tpu.memory_space<hbm>>
      tpu.wait_dma2 semaphore(%run_scoped3A : memref<!tpu.dma_semaphore, #tpu.memory_space<semaphore_mem>>) src(%dma_wait3A_66 : memref<5000xi32, #tpu.memory_space<hbm>>) dst(%arg6 : memref<5000xi32, #tpu.memory_space<vmem>>)
      tpu.yield
    }) : () -> ()
    "tpu.region"() ({
      %run_scoped3A = tpu.sem_alloc : memref<!tpu.dma_semaphore, #tpu.memory_space<semaphore_mem>>
      tpu.enqueue_dma source(%arg2 : memref<1000x8xf32, #tpu.memory_space<hbm>>) target(%arg7 : memref<1000x8xf32, #tpu.memory_space<vmem>>) target_semaphore(%run_scoped3A : memref<!tpu.dma_semaphore, #tpu.memory_space<semaphore_mem>>)
      tpu.wait_dma2 semaphore(%run_scoped3A : memref<!tpu.dma_semaphore, #tpu.memory_space<semaphore_mem>>) src(%arg2 : memref<1000x8xf32, #tpu.memory_space<hbm>>) dst(%arg7 : memref<1000x8xf32, #tpu.memory_space<vmem>>)
      tpu.yield
    }) : () -> ()
    %barrier3A = arith.constant 0 : index
    tpu.barrier barrier_id(%barrier3A)
    %dma_start3A = arith.constant 0 : i32
    %dma_start3A_8 = tpu.memref_slice %arg6[%dma_start3A] : memref<5000xi32, #tpu.memory_space<vmem>> -> memref<1000xi32, #tpu.memory_space<vmem>>
    %dma_start3A_9 = arith.constant 0 : i32
    %dma_start3A_10 = arith.constant 0 : i32
    %dma_start3A_11 = tpu.memref_slice %arg8[%dma_start3A_9, %dma_start3A_10] : memref<10112x8xf32, #tpu.memory_space<vmem_shared>> -> memref<10112x8xf32, #tpu.memory_space<vmem_shared>>
    tpu.enqueue_indirect_dma source(%arg7 : memref<1000x8xf32, #tpu.memory_space<vmem>>) target(%dma_start3A_11 : memref<10112x8xf32, #tpu.memory_space<vmem_shared>>) offsets(%dma_start3A_8 : memref<1000xi32, #tpu.memory_space<vmem>>) semaphore(%arg9 : memref<!tpu.dma_semaphore, #tpu.memory_space<semaphore_mem>>) {add = true}
    %dma_start3A_12 = arith.constant 1000 : i32
    %dma_start3A_13 = tpu.memref_slice %arg6[%dma_start3A_12] : memref<5000xi32, #tpu.memory_space<vmem>> -> memref<1000xi32, #tpu.memory_space<vmem>>
    %dma_start3A_14 = arith.constant 0 : i32
    %dma_start3A_15 = arith.constant 0 : i32
    %dma_start3A_16 = tpu.memref_slice %arg8[%dma_start3A_14, %dma_start3A_15] : memref<10112x8xf32, #tpu.memory_space<vmem_shared>> -> memref<10112x8xf32, #tpu.memory_space<vmem_shared>>
    tpu.enqueue_indirect_dma source(%arg7 : memref<1000x8xf32, #tpu.memory_space<vmem>>) target(%dma_start3A_16 : memref<10112x8xf32, #tpu.memory_space<vmem_shared>>) offsets(%dma_start3A_13 : memref<1000xi32, #tpu.memory_space<vmem>>) semaphore(%arg9 : memref<!tpu.dma_semaphore, #tpu.memory_space<semaphore_mem>>) {add = true}
    %dma_start3A_17 = arith.constant 2000 : i32
    %dma_start3A_18 = tpu.memref_slice %arg6[%dma_start3A_17] : memref<5000xi32, #tpu.memory_space<vmem>> -> memref<1000xi32, #tpu.memory_space<vmem>>
    %dma_start3A_19 = arith.constant 0 : i32
    %dma_start3A_20 = arith.constant 0 : i32
    %dma_start3A_21 = tpu.memref_slice %arg8[%dma_start3A_19, %dma_start3A_20] : memref<10112x8xf32, #tpu.memory_space<vmem_shared>> -> memref<10112x8xf32, #tpu.memory_space<vmem_shared>>
    tpu.enqueue_indirect_dma source(%arg7 : memref<1000x8xf32, #tpu.memory_space<vmem>>) target(%dma_start3A_21 : memref<10112x8xf32, #tpu.memory_space<vmem_shared>>) offsets(%dma_start3A_18 : memref<1000xi32, #tpu.memory_space<vmem>>) semaphore(%arg9 : memref<!tpu.dma_semaphore, #tpu.memory_space<semaphore_mem>>) {add = true}
    %dma_start3A_22 = arith.constant 3000 : i32
    %dma_start3A_23 = tpu.memref_slice %arg6[%dma_start3A_22] : memref<5000xi32, #tpu.memory_space<vmem>> -> memref<1000xi32, #tpu.memory_space<vmem>>
    %dma_start3A_24 = arith.constant 0 : i32
    %dma_start3A_25 = arith.constant 0 : i32
    %dma_start3A_26 = tpu.memref_slice %arg8[%dma_start3A_24, %dma_start3A_25] : memref<10112x8xf32, #tpu.memory_space<vmem_shared>> -> memref<10112x8xf32, #tpu.memory_space<vmem_shared>>
    tpu.enqueue_indirect_dma source(%arg7 : memref<1000x8xf32, #tpu.memory_space<vmem>>) target(%dma_start3A_26 : memref<10112x8xf32, #tpu.memory_space<vmem_shared>>) offsets(%dma_start3A_23 : memref<1000xi32, #tpu.memory_space<vmem>>) semaphore(%arg9 : memref<!tpu.dma_semaphore, #tpu.memory_space<semaphore_mem>>) {add = true}
    %dma_start3A_27 = arith.constant 4000 : i32
    %dma_start3A_28 = tpu.memref_slice %arg6[%dma_start3A_27] : memref<5000xi32, #tpu.memory_space<vmem>> -> memref<1000xi32, #tpu.memory_space<vmem>>
    %dma_start3A_29 = arith.constant 0 : i32
    %dma_start3A_30 = arith.constant 0 : i32
    %dma_start3A_31 = tpu.memref_slice %arg8[%dma_start3A_29, %dma_start3A_30] : memref<10112x8xf32, #tpu.memory_space<vmem_shared>> -> memref<10112x8xf32, #tpu.memory_space<vmem_shared>>
    tpu.enqueue_indirect_dma source(%arg7 : memref<1000x8xf32, #tpu.memory_space<vmem>>) target(%dma_start3A_31 : memref<10112x8xf32, #tpu.memory_space<vmem_shared>>) offsets(%dma_start3A_28 : memref<1000xi32, #tpu.memory_space<vmem>>) semaphore(%arg9 : memref<!tpu.dma_semaphore, #tpu.memory_space<semaphore_mem>>) {add = true}
    %dma_wait3A = arith.constant 0 : i32
    %dma_wait3A_32 = tpu.memref_slice %arg6[%dma_wait3A] : memref<5000xi32, #tpu.memory_space<vmem>> -> memref<1000xi32, #tpu.memory_space<vmem>>
    %dma_wait3A_33 = arith.constant 0 : i32
    %dma_wait3A_34 = arith.constant 0 : i32
    %dma_wait3A_35 = tpu.memref_slice %arg8[%dma_wait3A_33, %dma_wait3A_34] : memref<10112x8xf32, #tpu.memory_space<vmem_shared>> -> memref<10112x8xf32, #tpu.memory_space<vmem_shared>>
    tpu.wait_indirect_dma semaphore(%arg9 : memref<!tpu.dma_semaphore, #tpu.memory_space<semaphore_mem>>) src(%arg7 : memref<1000x8xf32, #tpu.memory_space<vmem>>) dst(%dma_wait3A_35 : memref<10112x8xf32, #tpu.memory_space<vmem_shared>>)
    %dma_wait3A_36 = arith.constant 1000 : i32
    %dma_wait3A_37 = tpu.memref_slice %arg6[%dma_wait3A_36] : memref<5000xi32, #tpu.memory_space<vmem>> -> memref<1000xi32, #tpu.memory_space<vmem>>
    %dma_wait3A_38 = arith.constant 0 : i32
    %dma_wait3A_39 = arith.constant 0 : i32
    %dma_wait3A_40 = tpu.memref_slice %arg8[%dma_wait3A_38, %dma_wait3A_39] : memref<10112x8xf32, #tpu.memory_space<vmem_shared>> -> memref<10112x8xf32, #tpu.memory_space<vmem_shared>>
    tpu.wait_indirect_dma semaphore(%arg9 : memref<!tpu.dma_semaphore, #tpu.memory_space<semaphore_mem>>) src(%arg7 : memref<1000x8xf32, #tpu.memory_space<vmem>>) dst(%dma_wait3A_40 : memref<10112x8xf32, #tpu.memory_space<vmem_shared>>)
    %dma_wait3A_41 = arith.constant 2000 : i32
    %dma_wait3A_42 = tpu.memref_slice %arg6[%dma_wait3A_41] : memref<5000xi32, #tpu.memory_space<vmem>> -> memref<1000xi32, #tpu.memory_space<vmem>>
    %dma_wait3A_43 = arith.constant 0 : i32
    %dma_wait3A_44 = arith.constant 0 : i32
    %dma_wait3A_45 = tpu.memref_slice %arg8[%dma_wait3A_43, %dma_wait3A_44] : memref<10112x8xf32, #tpu.memory_space<vmem_shared>> -> memref<10112x8xf32, #tpu.memory_space<vmem_shared>>
    tpu.wait_indirect_dma semaphore(%arg9 : memref<!tpu.dma_semaphore, #tpu.memory_space<semaphore_mem>>) src(%arg7 : memref<1000x8xf32, #tpu.memory_space<vmem>>) dst(%dma_wait3A_45 : memref<10112x8xf32, #tpu.memory_space<vmem_shared>>)
    %dma_wait3A_46 = arith.constant 3000 : i32
    %dma_wait3A_47 = tpu.memref_slice %arg6[%dma_wait3A_46] : memref<5000xi32, #tpu.memory_space<vmem>> -> memref<1000xi32, #tpu.memory_space<vmem>>
    %dma_wait3A_48 = arith.constant 0 : i32
    %dma_wait3A_49 = arith.constant 0 : i32
    %dma_wait3A_50 = tpu.memref_slice %arg8[%dma_wait3A_48, %dma_wait3A_49] : memref<10112x8xf32, #tpu.memory_space<vmem_shared>> -> memref<10112x8xf32, #tpu.memory_space<vmem_shared>>
    tpu.wait_indirect_dma semaphore(%arg9 : memref<!tpu.dma_semaphore, #tpu.memory_space<semaphore_mem>>) src(%arg7 : memref<1000x8xf32, #tpu.memory_space<vmem>>) dst(%dma_wait3A_50 : memref<10112x8xf32, #tpu.memory_space<vmem_shared>>)
    %dma_wait3A_51 = arith.constant 4000 : i32
    %dma_wait3A_52 = tpu.memref_slice %arg6[%dma_wait3A_51] : memref<5000xi32, #tpu.memory_space<vmem>> -> memref<1000xi32, #tpu.memory_space<vmem>>
    %dma_wait3A_53 = arith.constant 0 : i32
    %dma_wait3A_54 = arith.constant 0 : i32
    %dma_wait3A_55 = tpu.memref_slice %arg8[%dma_wait3A_53, %dma_wait3A_54] : memref<10112x8xf32, #tpu.memory_space<vmem_shared>> -> memref<10112x8xf32, #tpu.memory_space<vmem_shared>>
    tpu.wait_indirect_dma semaphore(%arg9 : memref<!tpu.dma_semaphore, #tpu.memory_space<semaphore_mem>>) src(%arg7 : memref<1000x8xf32, #tpu.memory_space<vmem>>) dst(%dma_wait3A_55 : memref<10112x8xf32, #tpu.memory_space<vmem_shared>>)
    %barrier3A_56 = arith.constant 0 : index
    tpu.barrier barrier_id(%barrier3A_56)
    %mul3A_57 = arith.constant 632 : i32
    %mul3A_58 = arith.muli %arg1, %mul3A_57 : i32
    %multiple_of3A_59 = tpu.assume_multiple %mul3A_58, 8 : i32
    %mul3A_60 = arith.constant 632 : i32
    %mul3A_61 = arith.muli %arg1, %mul3A_60 : i32
    %multiple_of3A_62 = tpu.assume_multiple %mul3A_61, 8 : i32
    "tpu.region"() ({
      %run_scoped3A = tpu.sem_alloc : memref<!tpu.dma_semaphore, #tpu.memory_space<semaphore_mem>>
      %dma_start3A_63 = arith.constant 0 : i32
      %dma_start3A_64 = arith.constant 0 : i32
      %dma_start3A_65 = tpu.memref_slice %arg5[%arg0, %dma_start3A_63, %dma_start3A_64] : memref<2x10112x8xf32, #tpu.memory_space<hbm>> -> memref<1x10112x8xf32, #tpu.memory_space<hbm>>
      %dma_start3A_66 = tpu.memref_squeeze %dma_start3A_65 : memref<1x10112x8xf32, #tpu.memory_space<hbm>> -> memref<10112x8xf32, #tpu.memory_space<hbm>>
      %dma_start3A_67 = arith.constant 0 : i32
      %dma_start3A_68 = tpu.memref_slice %dma_start3A_66[%multiple_of3A_62, %dma_start3A_67] : memref<10112x8xf32, #tpu.memory_space<hbm>> -> memref<632x8xf32, #tpu.memory_space<hbm>>
      %dma_start3A_69 = arith.constant 0 : i32
      %dma_start3A_70 = tpu.memref_slice %arg8[%multiple_of3A_59, %dma_start3A_69] : memref<10112x8xf32, #tpu.memory_space<vmem_shared>> -> memref<632x8xf32, #tpu.memory_space<vmem_shared>>
      tpu.enqueue_dma source(%dma_start3A_70 : memref<632x8xf32, #tpu.memory_space<vmem_shared>>) target(%dma_start3A_68 : memref<632x8xf32, #tpu.memory_space<hbm>>) target_semaphore(%run_scoped3A : memref<!tpu.dma_semaphore, #tpu.memory_space<semaphore_mem>>)
      %dma_wait3A_71 = arith.constant 0 : i32
      %dma_wait3A_72 = arith.constant 0 : i32
      %dma_wait3A_73 = tpu.memref_slice %arg5[%arg0, %dma_wait3A_71, %dma_wait3A_72] : memref<2x10112x8xf32, #tpu.memory_space<hbm>> -> memref<1x10112x8xf32, #tpu.memory_space<hbm>>
      %dma_wait3A_74 = tpu.memref_squeeze %dma_wait3A_73 : memref<1x10112x8xf32, #tpu.memory_space<hbm>> -> memref<10112x8xf32, #tpu.memory_space<hbm>>
      %dma_wait3A_75 = arith.constant 0 : i32
      %dma_wait3A_76 = tpu.memref_slice %dma_wait3A_74[%multiple_of3A_62, %dma_wait3A_75] : memref<10112x8xf32, #tpu.memory_space<hbm>> -> memref<632x8xf32, #tpu.memory_space<hbm>>
      %dma_wait3A_77 = arith.constant 0 : i32
      %dma_wait3A_78 = tpu.memref_slice %arg8[%multiple_of3A_59, %dma_wait3A_77] : memref<10112x8xf32, #tpu.memory_space<vmem_shared>> -> memref<632x8xf32, #tpu.memory_space<vmem_shared>>
      tpu.wait_dma2 semaphore(%run_scoped3A : memref<!tpu.dma_semaphore, #tpu.memory_space<semaphore_mem>>) src(%dma_wait3A_78 : memref<632x8xf32, #tpu.memory_space<vmem_shared>>) dst(%dma_wait3A_76 : memref<632x8xf32, #tpu.memory_space<hbm>>)
      tpu.yield
    }) : () -> ()
    return
  }
}

module attributes {stable_mosaic.version = 14 : i64} {
  func.func @_mm1_body(%arg0: i32, %arg1: memref<1000x500xf32, #tpu.memory_space<vmem>>, %arg2: memref<500x32xf32, #tpu.memory_space<vmem>>, %arg3: memref<1000x32xf32, #tpu.memory_space<vmem>>) attributes {dimension_semantics = [#tpu.dimension_semantics<arbitrary>], iteration_bounds = array<i64: 10>, scalar_prefetch = 0 : i64, scratch_operands = 0 : i64, tpu.core_type = #tpu.core_type<tc>, window_params = [{transform_indices = @transform_0, window_bounds = array<i64: 1000, 500>}, {pipeline_mode = #tpu.pipeline_mode<synchronous>, transform_indices = @transform_1, window_bounds = array<i64: 500, 32>}, {transform_indices = @transform_2, window_bounds = array<i64: 1000, 32>}]} {
    %get3A = arith.constant 0 : index
    %get3A_0 = arith.constant 0 : index
    %get3A_1 = vector.load %arg1[%get3A, %get3A_0] : memref<1000x500xf32, #tpu.memory_space<vmem>>, vector<1000x500xf32>
    %get3A_2 = arith.constant 0 : index
    %get3A_3 = arith.constant 0 : index
    %get3A_4 = vector.load %arg2[%get3A_2, %get3A_3] : memref<500x32xf32, #tpu.memory_space<vmem>>, vector<500x32xf32>
    %dot_general3A = arith.constant dense<0.000000e+00> : vector<1000x32xf32>
    %dot_general3A_5 = tpu.matmul %get3A_1, %get3A_4, %dot_general3A {dimension_numbers = #tpu.dot_dimension_numbers<[1], [0], [0], [1], [0, 0, 1, 1], [], []>, transpose_lhs_hint = false} : vector<1000x500xf32>, vector<500x32xf32>, vector<1000x32xf32> -> vector<1000x32xf32>
    %swap3A = arith.constant 0 : index
    %swap3A_6 = arith.constant 0 : index
    %swap3A_7 = vector.load %arg3[%swap3A, %swap3A_6] : memref<1000x32xf32, #tpu.memory_space<vmem>>, vector<1000x32xf32>
    tpu.vector_store %arg3[%swap3A, %swap3A_6], %dot_general3A_5 {strides = array<i32>} : memref<1000x32xf32, #tpu.memory_space<vmem>>, vector<1000x32xf32>,
    return
  }
  func.func @transform_0(%arg0: i32) -> (i32, i32) {
    %c0_i32 = arith.constant 0 : i32
    %c0_i32_0 = arith.constant 0 : i32
    return %arg0, %c0_i32 : i32, i32
  }
  func.func @transform_1(%arg0: i32) -> (i32, i32) {
    %c0_i32 = arith.constant 0 : i32
    %c0_i32_0 = arith.constant 0 : i32
    %c0_i32_1 = arith.constant 0 : i32
    return %c0_i32, %c0_i32_0 : i32, i32
  }
  func.func @transform_2(%arg0: i32) -> (i32, i32) {
    %c0_i32 = arith.constant 0 : i32
    %c0_i32_0 = arith.constant 0 : i32
    return %arg0, %c0_i32 : i32, i32
  }
}

module attributes {stable_mosaic.version = 14 : i64} {
  func.func @_scale_body(%arg0: memref<10000x32xf32, #tpu.memory_space<vmem>>, %arg1: memref<2x10112x8xf32, #tpu.memory_space<vmem>>, %arg2: memref<10000x32xf32, #tpu.memory_space<vmem>>, %arg3: memref<10000x32xbf16, #tpu.memory_space<vmem>>, %arg4: memref<10000x1xf32, #tpu.memory_space<vmem>>) attributes {dimension_semantics = [], scalar_prefetch = 0 : i64, scratch_operands = 0 : i64, tpu.core_type = #tpu.core_type<tc>} {
    %get3A = arith.constant 0 : index
    %get3A_0 = arith.constant 0 : index
    %get3A_1 = arith.constant 0 : index
    %get3A_2 = vector.load %arg1[%get3A, %get3A_0, %get3A_1] : memref<2x10112x8xf32, #tpu.memory_space<vmem>>, vector<2x10112x8xf32>
    %slice3A = vector.extract_strided_slice %get3A_2 {offsets = [0, 0, 0], sizes = [1, 10000, 1], strides = [1, 1, 1]} : vector<2x10112x8xf32> to vector<1x10000x1xf32>
    %squeeze3A = vector.shape_cast %slice3A : vector<1x10000x1xf32> to vector<10000x1xf32>
    %slice3A_3 = vector.extract_strided_slice %get3A_2 {offsets = [1, 0, 0], sizes = [1, 10000, 1], strides = [1, 1, 1]} : vector<2x10112x8xf32> to vector<1x10000x1xf32>
    %squeeze3A_4 = vector.shape_cast %slice3A_3 : vector<1x10000x1xf32> to vector<10000x1xf32>
    %add3A = arith.addf %squeeze3A, %squeeze3A_4 : vector<10000x1xf32>
    %add3A_5 = arith.constant 1.000000e+00 : f32
    %add3A_6 = vector.broadcast %add3A_5 : f32 to vector<10000x1xf32>
    %add3A_7 = arith.addf %add3A, %add3A_6 : vector<10000x1xf32>
    %sqrt3A = math.sqrt %add3A_7 : vector<10000x1xf32>
    %div3A = arith.constant 1.000000e+00 : f32
    %div3A_8 = vector.broadcast %div3A : f32 to vector<10000x1xf32>
    %div3A_9 = arith.divf %div3A_8, %sqrt3A : vector<10000x1xf32>
    %swap3A = arith.constant 0 : index
    %swap3A_10 = arith.constant 0 : index
    %swap3A_11 = vector.load %arg4[%swap3A, %swap3A_10] : memref<10000x1xf32, #tpu.memory_space<vmem>>, vector<10000x1xf32>
    tpu.vector_store %arg4[%swap3A, %swap3A_10], %div3A_9 {strides = array<i32>} : memref<10000x1xf32, #tpu.memory_space<vmem>>, vector<10000x1xf32>,
    %get3A_12 = arith.constant 0 : index
    %get3A_13 = arith.constant 0 : index
    %get3A_14 = vector.load %arg0[%get3A_12, %get3A_13] : memref<10000x32xf32, #tpu.memory_space<vmem>>, vector<10000x32xf32>
    %mul3A = vector.broadcast %div3A_9 : vector<10000x1xf32> to vector<10000x32xf32>
    %mul3A_15 = arith.mulf %get3A_14, %mul3A : vector<10000x32xf32>
    %swap3A_16 = arith.constant 0 : index
    %swap3A_17 = arith.constant 0 : index
    %swap3A_18 = vector.load %arg2[%swap3A_16, %swap3A_17] : memref<10000x32xf32, #tpu.memory_space<vmem>>, vector<10000x32xf32>
    tpu.vector_store %arg2[%swap3A_16, %swap3A_17], %mul3A_15 {strides = array<i32>} : memref<10000x32xf32, #tpu.memory_space<vmem>>, vector<10000x32xf32>,
    %convert_element_type3A = arith.truncf %mul3A_15 : vector<10000x32xf32> to vector<10000x32xbf16>
    %swap3A_19 = arith.constant 0 : index
    %swap3A_20 = arith.constant 0 : index
    %swap3A_21 = vector.load %arg3[%swap3A_19, %swap3A_20] : memref<10000x32xbf16, #tpu.memory_space<vmem>>, vector<10000x32xbf16>
    tpu.vector_store %arg3[%swap3A_19, %swap3A_20], %convert_element_type3A {strides = array<i32>} : memref<10000x32xbf16, #tpu.memory_space<vmem>>, vector<10000x32xbf16>,
    return
  }
}

module attributes {stable_mosaic.version = 14 : i64} {
  func.func @_mid_body(%arg0: memref<2x10112x32xbf16, #tpu.memory_space<vmem>>, %arg1: memref<10000x32xf32, #tpu.memory_space<vmem>>, %arg2: memref<10000x1xf32, #tpu.memory_space<vmem>>, %arg3: memref<1x32xf32, #tpu.memory_space<vmem>>, %arg4: memref<10000x32xf32, #tpu.memory_space<vmem>>, %arg5: memref<10000x32xbf16, #tpu.memory_space<vmem>>) attributes {dimension_semantics = [], scalar_prefetch = 0 : i64, scratch_operands = 0 : i64, tpu.core_type = #tpu.core_type<tc>} {
    %get3A = arith.constant 0 : index
    %get3A_0 = arith.constant 0 : index
    %get3A_1 = arith.constant 0 : index
    %get3A_2 = vector.load %arg0[%get3A, %get3A_0, %get3A_1] : memref<2x10112x32xbf16, #tpu.memory_space<vmem>>, vector<2x10112x32xbf16>
    %convert_element_type3A = arith.extf %get3A_2 : vector<2x10112x32xbf16> to vector<2x10112x32xf32>
    %get3A_3 = arith.constant 0 : index
    %get3A_4 = arith.constant 0 : index
    %get3A_5 = vector.load %arg2[%get3A_3, %get3A_4] : memref<10000x1xf32, #tpu.memory_space<vmem>>, vector<10000x1xf32>
    %get3A_6 = arith.constant 0 : index
    %get3A_7 = arith.constant 0 : index
    %get3A_8 = vector.load %arg1[%get3A_6, %get3A_7] : memref<10000x32xf32, #tpu.memory_space<vmem>>, vector<10000x32xf32>
    %slice3A = vector.extract_strided_slice %convert_element_type3A {offsets = [0, 0, 0], sizes = [1, 10000, 32], strides = [1, 1, 1]} : vector<2x10112x32xf32> to vector<1x10000x32xf32>
    %squeeze3A = vector.shape_cast %slice3A : vector<1x10000x32xf32> to vector<10000x32xf32>
    %add3A = arith.addf %get3A_8, %squeeze3A : vector<10000x32xf32>
    %slice3A_9 = vector.extract_strided_slice %convert_element_type3A {offsets = [1, 0, 0], sizes = [1, 10000, 32], strides = [1, 1, 1]} : vector<2x10112x32xf32> to vector<1x10000x32xf32>
    %squeeze3A_10 = vector.shape_cast %slice3A_9 : vector<1x10000x32xf32> to vector<10000x32xf32>
    %add3A_11 = arith.addf %add3A, %squeeze3A_10 : vector<10000x32xf32>
    %mul3A = vector.broadcast %get3A_5 : vector<10000x1xf32> to vector<10000x32xf32>
    %mul3A_12 = arith.mulf %add3A_11, %mul3A : vector<10000x32xf32>
    %get3A_13 = arith.constant 0 : index
    %get3A_14 = arith.constant 0 : index
    %get3A_15 = vector.load %arg3[%get3A_13, %get3A_14] : memref<1x32xf32, #tpu.memory_space<vmem>>, vector<1x32xf32>
    %add3A_16 = vector.broadcast %get3A_15 : vector<1x32xf32> to vector<10000x32xf32>
    %add3A_17 = arith.addf %mul3A_12, %add3A_16 : vector<10000x32xf32>
    %tanh3A = math.tanh %add3A_17 : vector<10000x32xf32>
    %mul3A_18 = vector.broadcast %get3A_5 : vector<10000x1xf32> to vector<10000x32xf32>
    %mul3A_19 = arith.mulf %tanh3A, %mul3A_18 : vector<10000x32xf32>
    %swap3A = arith.constant 0 : index
    %swap3A_20 = arith.constant 0 : index
    %swap3A_21 = vector.load %arg4[%swap3A, %swap3A_20] : memref<10000x32xf32, #tpu.memory_space<vmem>>, vector<10000x32xf32>
    tpu.vector_store %arg4[%swap3A, %swap3A_20], %mul3A_19 {strides = array<i32>} : memref<10000x32xf32, #tpu.memory_space<vmem>>, vector<10000x32xf32>,
    %convert_element_type3A_22 = arith.truncf %mul3A_19 : vector<10000x32xf32> to vector<10000x32xbf16>
    %swap3A_23 = arith.constant 0 : index
    %swap3A_24 = arith.constant 0 : index
    %swap3A_25 = vector.load %arg5[%swap3A_23, %swap3A_24] : memref<10000x32xbf16, #tpu.memory_space<vmem>>, vector<10000x32xbf16>
    tpu.vector_store %arg5[%swap3A_23, %swap3A_24], %convert_element_type3A_22 {strides = array<i32>} : memref<10000x32xbf16, #tpu.memory_space<vmem>>, vector<10000x32xbf16>,
    return
  }
}

module attributes {stable_mosaic.version = 14 : i64} {
  func.func @_fin_body(%arg0: memref<2x10112x32xbf16, #tpu.memory_space<vmem>>, %arg1: memref<10000x32xf32, #tpu.memory_space<vmem>>, %arg2: memref<10000x1xf32, #tpu.memory_space<vmem>>, %arg3: memref<32x64xf32, #tpu.memory_space<vmem>>, %arg4: memref<1x64xf32, #tpu.memory_space<vmem>>, %arg5: memref<10000x32xf32, #tpu.memory_space<vmem>>, %arg6: memref<10000x32xf32, #tpu.memory_space<vmem>>) attributes {dimension_semantics = [], scalar_prefetch = 0 : i64, scratch_operands = 0 : i64, tpu.core_type = #tpu.core_type<tc>} {
    %get3A = arith.constant 0 : index
    %get3A_0 = arith.constant 0 : index
    %get3A_1 = arith.constant 0 : index
    %get3A_2 = vector.load %arg0[%get3A, %get3A_0, %get3A_1] : memref<2x10112x32xbf16, #tpu.memory_space<vmem>>, vector<2x10112x32xbf16>
    %convert_element_type3A = arith.extf %get3A_2 : vector<2x10112x32xbf16> to vector<2x10112x32xf32>
    %get3A_3 = arith.constant 0 : index
    %get3A_4 = arith.constant 0 : index
    %get3A_5 = vector.load %arg1[%get3A_3, %get3A_4] : memref<10000x32xf32, #tpu.memory_space<vmem>>, vector<10000x32xf32>
    %slice3A = vector.extract_strided_slice %convert_element_type3A {offsets = [0, 0, 0], sizes = [1, 10000, 32], strides = [1, 1, 1]} : vector<2x10112x32xf32> to vector<1x10000x32xf32>
    %squeeze3A = vector.shape_cast %slice3A : vector<1x10000x32xf32> to vector<10000x32xf32>
    %add3A = arith.addf %get3A_5, %squeeze3A : vector<10000x32xf32>
    %slice3A_6 = vector.extract_strided_slice %convert_element_type3A {offsets = [1, 0, 0], sizes = [1, 10000, 32], strides = [1, 1, 1]} : vector<2x10112x32xf32> to vector<1x10000x32xf32>
    %squeeze3A_7 = vector.shape_cast %slice3A_6 : vector<1x10000x32xf32> to vector<10000x32xf32>
    %add3A_8 = arith.addf %add3A, %squeeze3A_7 : vector<10000x32xf32>
    %get3A_9 = arith.constant 0 : index
    %get3A_10 = arith.constant 0 : index
    %get3A_11 = vector.load %arg3[%get3A_9, %get3A_10] : memref<32x64xf32, #tpu.memory_space<vmem>>, vector<32x64xf32>
    %dot_general3A = arith.constant dense<0.000000e+00> : vector<10000x64xf32>
    %dot_general3A_12 = tpu.matmul %add3A_8, %get3A_11, %dot_general3A {dimension_numbers = #tpu.dot_dimension_numbers<[1], [0], [0], [1], [0, 0, 1, 1], [], []>, transpose_lhs_hint = false} : vector<10000x32xf32>, vector<32x64xf32>, vector<10000x64xf32> -> vector<10000x64xf32>
    %get3A_13 = arith.constant 0 : index
    %get3A_14 = arith.constant 0 : index
    %get3A_15 = vector.load %arg2[%get3A_13, %get3A_14] : memref<10000x1xf32, #tpu.memory_space<vmem>>, vector<10000x1xf32>
    %mul3A = vector.broadcast %get3A_15 : vector<10000x1xf32> to vector<10000x64xf32>
    %mul3A_16 = arith.mulf %dot_general3A_12, %mul3A : vector<10000x64xf32>
    %get3A_17 = arith.constant 0 : index
    %get3A_18 = arith.constant 0 : index
    %get3A_19 = vector.load %arg4[%get3A_17, %get3A_18] : memref<1x64xf32, #tpu.memory_space<vmem>>, vector<1x64xf32>
    %add3A_20 = vector.broadcast %get3A_19 : vector<1x64xf32> to vector<10000x64xf32>
    %add3A_21 = arith.addf %mul3A_16, %add3A_20 : vector<10000x64xf32>
    %slice3A_22 = vector.extract_strided_slice %add3A_21 {offsets = [0, 0], sizes = [10000, 32], strides = [1, 1]} : vector<10000x64xf32> to vector<10000x32xf32>
    %swap3A = arith.constant 0 : index
    %swap3A_23 = arith.constant 0 : index
    %swap3A_24 = vector.load %arg5[%swap3A, %swap3A_23] : memref<10000x32xf32, #tpu.memory_space<vmem>>, vector<10000x32xf32>
    tpu.vector_store %arg5[%swap3A, %swap3A_23], %slice3A_22 {strides = array<i32>} : memref<10000x32xf32, #tpu.memory_space<vmem>>, vector<10000x32xf32>,
    %slice3A_25 = vector.extract_strided_slice %add3A_21 {offsets = [0, 32], sizes = [10000, 32], strides = [1, 1]} : vector<10000x64xf32> to vector<10000x32xf32>
    %swap3A_26 = arith.constant 0 : index
    %swap3A_27 = arith.constant 0 : index
    %swap3A_28 = vector.load %arg6[%swap3A_26, %swap3A_27] : memref<10000x32xf32, #tpu.memory_space<vmem>>, vector<10000x32xf32>
    tpu.vector_store %arg6[%swap3A_26, %swap3A_27], %slice3A_25 {strides = array<i32>} : memref<10000x32xf32, #tpu.memory_space<vmem>>, vector<10000x32xf32>,
    return
  }
}

</mosaic_0001>

<sc_bundles>
// kernel: kernel.12.cloned.1.call-start
scs
__scs_entry_jumppad:
0x0: {  	(pc) =	sbr.rel $0x88, $3  }
0x1: {  	(tag) =	ssettag $0x0;
	lr =	simm.s32 $0x1  }
0x2: {  	[smem:$0x3F99] =	sst lr;
	_ =	strace $0xD0000000  }
0x3: {  	_ = 	snop  }
0x4: {  	_ = 	snop  }
0x5: {  	_ = 	snop  }
0x6: {  	_ = 	snop  }
0x7: {  	_ = 	snop  }
__scs_overlays_trampoline_lowered:
0x8: {  	[smem:$0x3FA8] =	sst s0  }
0x9: {  	[smem:$0x3FA9] =	sst s1  }
0xa: {  	[smem:$0x3FAA] =	sst s2  }
0xb: {  	[smem:$0x3FAB] =	sst s3  }
0xc: {  	[smem:$0x3FAC] =	sst s4  }
0xd: {  	[smem:$0x3FAD] =	sst s5  }
0xe: {  	[smem:$0x3FAE] =	sst s6  }
0xf: {  	[smem:$0x3FAF] =	sst s7  }
0x10: {  	[smem:$0x3FB0] =	sst s8  }
0x11: {  	[smem:$0x3FB1] =	sst s9;
	s0 =	simm.s32 @!p0 $0x0  }
0x12: {  	s1 =	sld [smem:$0x3F97];
	s0 =	simm.s32 @p0 $0x1  }
0x13: {  	[smem:$0x3FB2] =	sst s0;
	s0 =	simm.s32 @!p1 $0x0  }
0x14: {  	s2 =	sld [smem:$0x3F96];
	s0 =	simm.s32 @p1 $0x1  }
0x15: {  	[smem:$0x3FB3] =	sst s0;
	s0 =	simm.s32 @!p2 $0x0  }
0x16: {  	s3 =	sld [smem:$0x3FDB];
	s0 =	simm.s32 @p2 $0x1  }
0x17: {  	s4 =	simm.s32 $0x1BF5;
	[smem:$0x3FB5] =	sst s0  }
0x18: {  	s0 =	sld [smem:$0x3F98];
	_ =	swait.ge [sflag:s4], $0x0  }
0x19: {  	s7 =	sld [smem:$0x3F99]  }
0x1a: {  	s8 =	sadd.s32 $0xFFFFE003, lr  }
0x1b: {  	s9 =	sadd.s32 $0xFFFFFEF7, lr;
	s5 =	simm.s32 $0xFFFFFFFF;
	p2 =	slt.u32 s8, $0xFFFFF086  }
0x1c: {  	p1 =	slt.u32 s9, $0xF7A;
	s5 =	simm.s32 @!p2 $0x0  }
0x1d: {  	s5 =	simm.s32 @p1 $0x1;
	p0 =	seq.s32 s7, s2  }
0x1e: {  	s7 =	smul.u32 @!p0 $0xF7A, s2;
	p2 =	seq.s32 @!p0 s5, $0x0  }
0x1f: {  	s9 =	smul.u32 $0xF7A, s1;
	s8 =	simm.s32 @!p0 $0x1BF5;
	p2 =	por !p2, p0  }
0x20: {  	[sflag:s8] =	ssyncset.s32 @!p0 $0xFFFFF086;
	s6 =	sadd.s32 @!p0 s3, s7;
	s7 =	simm.s32 @!p0 $0x108  }
0x21: {  	s3 =	sadd.s32 s3, s9;
	s6 =	sadd.s32 @!p0 $0x88, s6;
	s7 =	simm.s32 @p2 $0x1082  }
0x22: {  	[simem:s7], [sflag:s8] =	dma.local @!p0 [hbm:s6], $0xF7A  }
0x23: {  	s9 =	sor.u32 $0xD0000000, s2;
	s6 =	simm.s32 $0x108;
	_ =	swait.ge @!p0 [sflag:s8], $0x0  }
0x24: {  	s3 =	sadd.s32 $0x88, s3;
	s6 =	simm.s32 @!p1 $0x1082;
	[sflag:s4] =	ssyncset.s32 $0xFFFFF086  }
0x25: {  	[simem:s6], [sflag:s4] =	dma.local [hbm:s3], $0xF7A  }
0x26: {  	[smem:$0x3F99] =	sst s1;
	(tag) =	ssettag s2;
	_ =	strace s9  }
0x27: {  	s1 =	sld [smem:$0x3FA9]  }
0x28: {  	s2 =	sld [smem:$0x3FAA]  }
0x29: {  	s4 =	sld [smem:$0x3FAC]  }
0x2a: {  	p0 =	seq.s32 s5, $0x0;
	s5 =	sld [smem:$0x3FAD]  }
0x2b: {  	s6 =	sld [smem:$0x3FAE]  }
0x2c: {  	s7 =	sld [smem:$0x3FAF]  }
0x2d: {  	s3 =	simm.s32 $0x108;
	s8 =	sld [smem:$0x3FB0]  }
0x2e: {  	s3 =	simm.s32 @!p0 $0x1082;
	s9 =	sld [smem:$0x3FB1]  }
0x2f: {  	lr =	sadd.s32 s0, s3;
	s0 =	sld [smem:$0x3FA8]  }
0x30: {  	s3 =	sld [smem:$0x3FAB]  }
0x31: {  	[smem:$0x3FB4] =	sst s10  }
0x32: {  	s10 =	sld [smem:$0x3FB2];
	_ =	sdelay $0x3  }
0x33: {  	p0 =	seq.s32 s10, $0x1;
	s10 =	sld [smem:$0x3FB4];
	_ =	sdelay $0x3  }
0x34: {  	[smem:$0x3FB4] =	sst s10  }
0x35: {  	s10 =	sld [smem:$0x3FB3];
	_ =	sdelay $0x3  }
0x36: {  	p1 =	seq.s32 s10, $0x1;
	s10 =	sld [smem:$0x3FB4];
	_ =	sdelay $0x3  }
0x37: {  	[smem:$0x3FB4] =	sst s10  }
0x38: {  	s10 =	sld [smem:$0x3FB5]  }
0x39: {  	_ = 	snop;
	(pc) =	sbr.ind lr, $3  }
0x3a: {  	_ = 	snop  }
0x3b: {  	_ = 	snop  }
0x3c: {  	p2 =	seq.s32 s10, $0x1;
	s10 =	sld [smem:$0x3FB4]  }
0x3d: {  	_ =	shalt  }
0x3e: {  	_ =	shalt  }
0x3f: {  	_ =	shalt  }
0x40: {  	_ =	shalt  }
0x41: {  	_ =	shalt  }
0x42: {  	_ =	shalt  }
0x43: {  	_ =	shalt  }
0x44: {  	_ =	shalt  }
0x45: {  	_ =	shalt  }
0x46: {  	_ =	shalt  }
0x47: {  	_ =	shalt  }
0x48: {  	_ =	shalt  }
0x49: {  	_ =	shalt  }
0x4a: {  	_ =	shalt  }
0x4b: {  	_ =	shalt  }
0x4c: {  	_ =	shalt  }
0x4d: {  	_ =	shalt  }
0x4e: {  	_ =	shalt  }
0x4f: {  	_ =	shalt  }
0x50: {  	_ =	shalt  }
0x51: {  	_ =	shalt  }
0x52: {  	_ =	shalt  }
0x53: {  	_ =	shalt  }
0x54: {  	_ =	shalt  }
0x55: {  	_ =	shalt  }
0x56: {  	_ =	shalt  }
0x57: {  	_ =	shalt  }
0x58: {  	_ =	shalt  }
0x59: {  	_ =	shalt  }
0x5a: {  	_ =	shalt  }
0x5b: {  	_ =	shalt  }
0x5c: {  	_ =	shalt  }
0x5d: {  	_ =	shalt  }
0x5e: {  	_ =	shalt  }
0x5f: {  	_ =	shalt  }
0x60: {  	_ =	shalt  }
0x61: {  	_ =	shalt  }
0x62: {  	_ =	shalt  }
0x63: {  	_ =	shalt  }
0x64: {  	_ =	shalt  }
0x65: {  	_ =	shalt  }
0x66: {  	_ =	shalt  }
0x67: {  	_ =	shalt  }
0x68: {  	_ =	shalt  }
0x69: {  	_ =	shalt  }
0x6a: {  	_ =	shalt  }
0x6b: {  	_ =	shalt  }
0x6c: {  	_ =	shalt  }
0x6d: {  	_ =	shalt  }
0x6e: {  	_ =	shalt  }
0x6f: {  	_ =	shalt  }
0x70: {  	_ =	shalt  }
0x71: {  	_ =	shalt  }
0x72: {  	_ =	shalt  }
0x73: {  	_ =	shalt  }
0x74: {  	_ =	shalt  }
0x75: {  	_ =	shalt  }
0x76: {  	_ =	shalt  }
0x77: {  	_ =	shalt  }
0x78: {  	_ =	shalt  }
0x79: {  	_ =	shalt  }
0x7a: {  	_ =	shalt  }
0x7b: {  	_ =	shalt  }
0x7c: {  	_ =	shalt  }
0x7d: {  	_ =	shalt  }
0x7e: {  	_ =	shalt  }
0x7f: {  	_ =	shalt  }
0x80: {  	_ =	shalt  }
0x81: {  	_ =	shalt  }
0x82: {  	_ =	shalt  }
0x83: {  	_ =	shalt  }
0x84: {  	_ =	shalt  }
0x85: {  	_ =	shalt  }
0x86: {  	_ =	shalt  }
0x87: {  	_ =	shalt  }
.Lfunc_end0:
.L_simem_size_0:
called_computation.1_lowered:
.L_overlay_start_0:
0x88: {  	s2 =	sld [smem:$0x3FD9]  }
0x89: {  	s3 =	sld [smem:$0x3FFE];
	_ =	sdelay $0x1  }
0x8a: {  	s1 =	srdreg.scid  }
0x8b: {  	s0 =	sand.u32 $0x1, s1  }
0x8c: {  	s14 =	sshll.u32 s0, $0xA;
	s2 =	sadd.s32 s3, s2  }
0x8d: {  	s2 =	sadd.s32 s2, s14  }
0x8e: {  	[smem:$0x3FC0] =	sst s2  }
0x8f: {  	_ = 	snop  }
0x90: {  	s2 =	sld [smem:$0x3FD0];
	_ =	sdelay $0x2  }
0x91: {  	s15 =	simm.s32 $0xA;
	s4 =	simm.s32 $0x10  }
0x92: {  	[smem:s4], [sflag:s15] =	dma.local [hbm:s2], $0x1  }
0x93: {  	_ =	swait.eq [sflag:s15], $0x1  }
0x94: {  	[sflag:s15] =	ssyncset.done $0x0  }
0x95: {  	s16 =	sld [smem:$0x10];
	[sflag:s15] =	ssyncadd.s32 $0xFFFFFFFF  }
0x96: {  	s17 =	sld [smem:$0x11];
	(tm) =	ssettm $0x1  }
0x97: {  	s18 =	sld [smem:$0x3FFB];
	_ =	sdelay $0x3  }
0x98: {  	_ =	strace s18  }
0x99: {  	s4 =	sld [smem:$0x3FFC];
	_ =	sdelay $0x3  }
0x9a: {  	_ =	strace s4  }
0x9b: {  	s4 =	sld [smem:$0x3FFD];
	_ =	sdelay $0x3  }
0x9c: {  	_ =	strace s4  }
0x9d: {  	_ =	strace $0x8FFFFFFF  }
0x9e: {  	s19 =	sld [smem:$0x3FDB];
	_ =	sdelay $0x1  }
0x9f: {  	s5 =	simm.s32 $_scs_section_size  }
0xa0: {  	s6 =	simm.s32 $_size__tile_overlayer_lowered;
	s7 =	simm.s32 $_tile_overlayer_lowered  }
0xa1: {  	s22 =	simm.s32 $0x1BFF;
	s21 =	sshll.u32 s7, $0x1;
	s4 =	sadd.s32 s5, s19  }
0xa2: {  	s8 =	simm.s32 $0x0;
	s20 =	sshll.u32 s6, $0x1;
	s6 =	sadd.s32 s21, s4  }
0xa3: {  	[timem:s8], [sflag:s22] =	dma.local [hbm:s6], s20  }
0xa4: {  	_ =	swait.ge [sflag:s22], s20  }
0xa5: {  	s5 =	ssub.s32 $0x0, s20;
	[sflag:s22] =	ssyncset.done $0x0  }
0xa6: {  	[sflag:s22] =	ssyncadd.s32 s5;
	_ =	sdelay $0x1  }
0xa7: {  	s23 =	simm.s32 $0x1B8B  }
0xa8: {  	_ =	swait.ge [sflag:s23], $0x1  }
0xa9: {  	[sflag:s23] =	ssyncset.done $0x0  }
0xaa: {  	s25 =	simm.s32 $0x1B8E;
	s24 =	sld [smem:$0x3FFE];
	[sflag:s23] =	ssyncadd.s32 $0xFFFFFFFF  }
0xab: {  	s26 =	simm.s32 $execute0_lowered;
	[smem:$0x3FD2] =	sst s25  }
0xac: {  	s6 =	sshll.u32 s26, $0x1;
	_ =	strace $0x80000049;
	[dreg:$0x1] =	wrdreg $0xFFFFFFFF  }
0xad: {  	s28 =	simm.s32 $_size_execute0_lowered;
	s4 =	sadd.s32 s4, s6;
	[dreg:$0x0] =	wrdreg $0x0  }
0xae: {  	s6 =	sshll.u32 s28, $0x1;
	[dreg:$0x2] =	wrdreg s4  }
0xaf: {  	[dreg:$0x3] =	wrdreg s6  }
0xb0: {  	[dreg:$0x4] =	wrdreg $0xC0  }
0xb1: {  	_ =	task [dreg:s8], $0x5FFFF  }
0xb2: {  	[dreg:$0x1] =	wrdreg $0xFFFFFFFF  }
0xb3: {  	[dreg:$0x0] =	wrdreg $0x60  }
0xb4: {  	[dreg:$0x2] =	wrdreg s24  }
0xb5: {  	[dreg:$0x3] =	wrdreg s16  }
0xb6: {  	[dreg:$0x4] =	wrdreg s17  }
0xb7: {  	[dreg:$0x5] =	wrdreg $0x15F900  }
0xb8: {  	[dreg:$0x6] =	wrdreg $0x9  }
0xb9: {  	_ =	task.clear_ibuf [dreg:s8], $0x7FFFF;
	_ =	strace $0x90000049  }
0xba: {  	s29 =	simm.s32 $0x9;
	_ =	strace $0x8000004B  }
0xbb: {  	_ =	swait.ge [sflag:s29], $0x1  }
0xbc: {  	[sflag:s29] =	ssyncadd.s32 $0xFFFFFFFF  }
0xbd: {  	_ =	strace $0x9000004B  }
0xbe: {  	_ =	sfence  }
0xbf: {  	s30 =	sld [smem:$0x0];
	_ =	sdelay $0x2  }
0xc0: {  	s31 =	sshll.u32 s1, $0xD;
	s1 =	sshrl.u32 s1, $0x2  }
0xc1: {  	s3 =	sand.u32 $0x4000, s31;
	s1 =	sadd.s32 s1, s30  }
0xc2: {  	s0 =	sor.u32 s3, s0;
	s1 =	sshll.u32 s1, $0x11  }
0xc3: {  	s0 =	sor.u32 s1, s0  }
0xc4: {  	s0 =	sadd.s32 $0x8F2B, s0  }
0xc5: {  	[sflag:s0] =	ssyncadd.remote.s32 $0x1  }
0xc6: {  	_ =	sfence.sel $0xFFFF  }
0xc7: {  	[dreg:$0x0] =	wrdreg $0xFFFFFFFF;
	(pc) =	sbr.abs _section_cstart, $3  }
0xc8: {  	[dreg:$0x1] =	wrdreg $0xFFFFFFFF  }
0xc9: {  	_ =	task.clear_ibuf [dreg:s8], $0x2FFFF;
	_ =	strace $0x9FFFFFFF  }
0xca: {  	(tm) =	ssettm $0x7FFFFFFF  }
0xcb: {  	_ =	shalt  }
tec
execute0_lowered:
.L_overlay_start_1:
0x0: {  	(tag) =	ssettag $0x1  }
0x1: {  	s11 =	rddreg [dreg:$0x0]  }
0x2: {  	s4 =	rddreg [dreg:$0x1]  }
0x3: {  	s28 =	rddreg [dreg:$0x2]  }
0x4: {  	s2 =	rddreg [dreg:$0x3]  }
0x5: {  	s5 =	srdreg.scid;
	s3 =	simm.s32 $0x0;
	s1 =	stileid.u32  }
0x6: {  	s29 =	sand.u32 $0x1, s5;
	[smem:$0x7FF] =	sst s3;
	s6 =	smul.u32 $0x4F00, s1  }
0x7: {  	s31 =	sshll.u32 s1, $0x6;
	s5 =	sshll.u32 s29, $0x4;
	_ =	strace $0x8000004A  }
0x8: {  	s5 =	sor.u32 s1, s5;
	s25 =	sshrl.u32 s6, $0x1;
	s30 =	sshrl.u32 s6, $0x4  }
0x9: {  	s6 =	simm.s32 $0x3;
	s8 =	smul.u32 $0x271, s5;
	s26 =	sadd.s32 s25, s2  }
0xa: {  	s4 =	sadd.s32 s4, s30;
	s5 =	sor.u32 $0x1C03, s31;
	s7 =	sshrl.u32 s26, $0x3  }
0xb: {  	[spmem:s7], [sflag:s5] =	dma.local [hbm:s4], $0x4F0  }
0xc: {  	_ =	swait.ge [sflag:s6], $0x4F0  }
0xd: {  	s9 =	sadd.s32 s8, s11;
	[sflag:s6] =	ssyncset.done $0x0  }
0xe: {  	s8 =	sadd.s32 $0x1600, s9;
	[sflag:s6] =	ssyncadd.s32 $0xFFFFFB10  }
0xf: {  	[tilespmem:s3], [sflag:$0x3] =	stream.linear.gather [hbm4b:s8+s3], $0x1388, $0x38;
	[tilespmem:$0x18710] =	vst v63  }
0x10: {  	_ =	swait.ge [sflag:s6], $0x1388  }
0x11: {  	[sflag:s6] =	ssyncset.done $0x0  }
0x12: {  	s10 =	simm.s32 $0x1388;
	s9 =	sadd.s32 $0x6600, s9;
	[sflag:s6] =	ssyncadd.s32 $0xFFFFEC78  }
0x13: {  	[tilespmem:s10], [sflag:$0x3] =	stream.linear.gather [hbm4b:s9+s3], $0x1388, $0x38;
	[tilespmem:$0x18710] =	vst v63  }
0x14: {  	_ =	swait.ge [sflag:s6], $0x1388  }
0x15: {  	[sflag:s6] =	ssyncset.done $0x0  }
0x16: {  	s12 =	simm.s32 $0x3E8;
	[sflag:s6] =	ssyncadd.s32 $0xFFFFEC78  }
0x17: {  	s13 =	simm.s32 $0x2710;
	s11 =	sadd.s32 $0xB600, s11;
	[bflag:$0x0] =	sbarrier.arrive $0xFFFF  }
0x18: {  	[tilespmem:s13], [sflag:$0x1] =	stream.indirect.gather [hbm4b:s11+s12], $0x10, s3, s12, $0xb8;
	[tilespmem:$0x18710] =	vst v63  }
0x19: {  	s14 =	simm.s32 $0x6590  }
0x1a: {  	[tilespmem:s14], [sflag:$0x1] =	stream.indirect.gather [hbm4b:s11+s12], $0x10, s12, s12, $0xb8;
	[tilespmem:$0x18710] =	vst v63  }
0x1b: {  	s15 =	simm.s32 $0x7D0;
	s16 =	simm.s32 $0xA410  }
0x1c: {  	[tilespmem:s16], [sflag:$0x1] =	stream.indirect.gather [hbm4b:s11+s12], $0x10, s15, s12, $0xb8;
	[tilespmem:$0x18710] =	vst v63  }
0x1d: {  	s17 =	simm.s32 $0xBB8;
	s18 =	simm.s32 $0xE290  }
0x1e: {  	[tilespmem:s18], [sflag:$0x1] =	stream.indirect.gather [hbm4b:s11+s12], $0x10, s17, s12, $0xb8;
	[tilespmem:$0x18710] =	vst v63  }
0x1f: {  	s19 =	simm.s32 $0xFA0;
	s20 =	simm.s32 $0x12110;
	s21 =	simm.s32 $0x1  }
0x20: {  	[tilespmem:s20], [sflag:$0x1] =	stream.indirect.gather [hbm4b:s11+s12], $0x10, s19, s12, $0xb8;
	[tilespmem:$0x18710] =	vst v63  }
0x21: {  	_ =	swait.ge [sflag:s21], $0x3E80  }
0x22: {  	[sflag:s21] =	ssyncset.done $0x0  }
0x23: {  	[sflag:s21] =	ssyncadd.s32 $0xFFFFC180  }
0x24: {  	[spmem:s2] =	stream.indirect.scatter.add.bf16 [tilespmem:s13], [sflag:$0x2], $0x10, s10, s12, $0xb8;
	[tilespmem:$0x18710] =	vst v63  }
0x25: {  	_ =	swait.ge [sflag:s21], $0x3E80  }
0x26: {  	[sflag:s21] =	ssyncset.done $0x0  }
0x27: {  	s22 =	simm.s32 $0x1770;
	[sflag:s21] =	ssyncadd.s32 $0xFFFFC180  }
0x28: {  	[spmem:s2] =	stream.indirect.scatter.add.bf16 [tilespmem:s14], [sflag:$0x2], $0x10, s22, s12, $0xb8;
	[tilespmem:$0x18710] =	vst v63  }
0x29: {  	_ =	swait.ge [sflag:s21], $0x3E80  }
0x2a: {  	[sflag:s21] =	ssyncset.done $0x0  }
0x2b: {  	s23 =	simm.s32 $0x1B58;
	[sflag:s21] =	ssyncadd.s32 $0xFFFFC180  }
0x2c: {  	[spmem:s2] =	stream.indirect.scatter.add.bf16 [tilespmem:s16], [sflag:$0x2], $0x10, s23, s12, $0xb8;
	[tilespmem:$0x18710] =	vst v63  }
0x2d: {  	_ =	swait.ge [sflag:s21], $0x3E80  }
0x2e: {  	[sflag:s21] =	ssyncset.done $0x0  }
0x2f: {  	s24 =	simm.s32 $0x1F40;
	[sflag:s21] =	ssyncadd.s32 $0xFFFFC180  }
0x30: {  	[spmem:s2] =	stream.indirect.scatter.add.bf16 [tilespmem:s18], [sflag:$0x2], $0x10, s24, s12, $0xb8;
	[tilespmem:$0x18710] =	vst v63  }
0x31: {  	_ =	swait.ge [sflag:s21], $0x3E80  }
0x32: {  	[sflag:s21] =	ssyncset.done $0x0  }
0x33: {  	s25 =	simm.s32 $0x2328;
	s26 =	simm.s32 $0x2;
	[sflag:s21] =	ssyncadd.s32 $0xFFFFC180  }
0x34: {  	[spmem:s2] =	stream.indirect.scatter.add.bf16 [tilespmem:s20], [sflag:$0x2], $0x10, s25, s12, $0xb8;
	[tilespmem:$0x18710] =	vst v63  }
0x35: {  	_ =	swait.ge [sflag:s26], $0x3E80  }
0x36: {  	[sflag:s26] =	ssyncset.done $0x0  }
0x37: {  	[sflag:s26] =	ssyncadd.s32 $0xFFFFC180  }
0x38: {  	_ =	swait.ge [sflag:s26], $0x3E80  }
0x39: {  	[sflag:s26] =	ssyncset.done $0x0  }
0x3a: {  	[sflag:s26] =	ssyncadd.s32 $0xFFFFC180  }
0x3b: {  	_ =	swait.ge [sflag:s26], $0x3E80  }
0x3c: {  	[sflag:s26] =	ssyncset.done $0x0  }
0x3d: {  	[sflag:s26] =	ssyncadd.s32 $0xFFFFC180  }
0x3e: {  	s31 =	ssub.s32 $0x2, s29;
	_ =	swait.ge [sflag:s26], $0x3E80  }
0x3f: {  	s0 =	sshrl.u32 s31, $0x1;
	[sflag:s26] =	ssyncset.done $0x0  }
0x40: {  	s0 =	ssub.s32 s31, s0;
	[sflag:s26] =	ssyncadd.s32 $0xFFFFC180  }
0x41: {  	s29 =	smul.u32 $0x4F00, s29;
	s0 =	smax.u32 s0, $0x1;
	_ =	swait.ge [sflag:s26], $0x3E80  }
0x42: {  	p0 =	sne.s32 s0, $0x1;
	[sflag:s26] =	ssyncset.done $0x0  }
.Ltmp0:
0x43: {  	s28 =	sadd.s32 s28, s29;
	[sflag:s26] =	ssyncadd.s32 $0xFFFFC180;
	(pc) =	sbr.rel @!p0 .LBB2_2-.Ltmp0, $4  }
0x44: {  	s28 =	sadd.s32 s30, s28;
	[bflag:$0x0] =	sbarrier.arrive $0xFFFF  }
0x45: {  	[hbm:s28], [sflag:s5] =	dma.local [spmem:s7], $0x4F0  }
0x46: {  	_ =	swait.ge [sflag:s6], $0x4F0  }
0x47: {  	s29 =	sadd.s32 $0xFFFFFFFF, s0;
	[sflag:s6] =	ssyncset.done $0x0  }
.LBB2_1:
0x48: {  	p0 =	sne.s32 s29, $0x1;
	s29 =	sadd.s32 $0xFFFFFFFF, s29;
	[sflag:s6] =	ssyncadd.s32 $0xFFFFFB10  }
0x49: {  	[spmem:s7], [sflag:s5] =	dma.local [hbm:s4], $0x4F0  }
0x4a: {  	_ =	swait.ge [sflag:s6], $0x4F0  }
0x4b: {  	[sflag:s6] =	ssyncset.done $0x0  }
0x4c: {  	[sflag:s6] =	ssyncadd.s32 $0xFFFFFB10  }
0x4d: {  	[tilespmem:s3], [sflag:$0x3] =	stream.linear.gather [hbm4b:s8+s3], $0x1388, $0x38;
	[tilespmem:$0x18710] =	vst v63  }
0x4e: {  	_ =	swait.ge [sflag:s6], $0x1388  }
0x4f: {  	[sflag:s6] =	ssyncset.done $0x0  }
0x50: {  	[sflag:s6] =	ssyncadd.s32 $0xFFFFEC78  }
0x51: {  	[tilespmem:s10], [sflag:$0x3] =	stream.linear.gather [hbm4b:s9+s3], $0x1388, $0x38;
	[tilespmem:$0x18710] =	vst v63  }
0x52: {  	_ =	swait.ge [sflag:s6], $0x1388  }
0x53: {  	[sflag:s6] =	ssyncset.done $0x0  }
0x54: {  	[sflag:s6] =	ssyncadd.s32 $0xFFFFEC78  }
0x55: {  	[bflag:$0x0] =	sbarrier.arrive $0xFFFF  }
0x56: {  	[tilespmem:s13], [sflag:$0x1] =	stream.indirect.gather [hbm4b:s11+s12], $0x10, s3, s12, $0xb8;
	[tilespmem:$0x18710] =	vst v63  }
0x57: {  	_ = 	snop  }
0x58: {  	[tilespmem:s14], [sflag:$0x1] =	stream.indirect.gather [hbm4b:s11+s12], $0x10, s12, s12, $0xb8;
	[tilespmem:$0x18710] =	vst v63  }
0x59: {  	_ = 	snop  }
0x5a: {  	[tilespmem:s16], [sflag:$0x1] =	stream.indirect.gather [hbm4b:s11+s12], $0x10, s15, s12, $0xb8;
	[tilespmem:$0x18710] =	vst v63  }
0x5b: {  	_ = 	snop  }
0x5c: {  	[tilespmem:s18], [sflag:$0x1] =	stream.indirect.gather [hbm4b:s11+s12], $0x10, s17, s12, $0xb8;
	[tilespmem:$0x18710] =	vst v63  }
0x5d: {  	_ = 	snop  }
0x5e: {  	[tilespmem:s20], [sflag:$0x1] =	stream.indirect.gather [hbm4b:s11+s12], $0x10, s19, s12, $0xb8;
	[tilespmem:$0x18710] =	vst v63  }
0x5f: {  	_ =	swait.ge [sflag:s21], $0x3E80  }
0x60: {  	[sflag:s21] =	ssyncset.done $0x0  }
0x61: {  	[sflag:s21] =	ssyncadd.s32 $0xFFFFC180  }
0x62: {  	[spmem:s2] =	stream.indirect.scatter.add.bf16 [tilespmem:s13], [sflag:$0x2], $0x10, s10, s12, $0xb8;
	[tilespmem:$0x18710] =	vst v63  }
0x63: {  	_ =	swait.ge [sflag:s21], $0x3E80  }
0x64: {  	[sflag:s21] =	ssyncset.done $0x0  }
0x65: {  	[sflag:s21] =	ssyncadd.s32 $0xFFFFC180  }
0x66: {  	[spmem:s2] =	stream.indirect.scatter.add.bf16 [tilespmem:s14], [sflag:$0x2], $0x10, s22, s12, $0xb8;
	[tilespmem:$0x18710] =	vst v63  }
0x67: {  	_ =	swait.ge [sflag:s21], $0x3E80  }
0x68: {  	[sflag:s21] =	ssyncset.done $0x0  }
0x69: {  	[sflag:s21] =	ssyncadd.s32 $0xFFFFC180  }
0x6a: {  	[spmem:s2] =	stream.indirect.scatter.add.bf16 [tilespmem:s16], [sflag:$0x2], $0x10, s23, s12, $0xb8;
	[tilespmem:$0x18710] =	vst v63  }
0x6b: {  	_ =	swait.ge [sflag:s21], $0x3E80  }
0x6c: {  	[sflag:s21] =	ssyncset.done $0x0  }
0x6d: {  	[sflag:s21] =	ssyncadd.s32 $0xFFFFC180  }
0x6e: {  	[spmem:s2] =	stream.indirect.scatter.add.bf16 [tilespmem:s18], [sflag:$0x2], $0x10, s24, s12, $0xb8;
	[tilespmem:$0x18710] =	vst v63  }
0x6f: {  	_ =	swait.ge [sflag:s21], $0x3E80  }
0x70: {  	[sflag:s21] =	ssyncset.done $0x0  }
0x71: {  	[sflag:s21] =	ssyncadd.s32 $0xFFFFC180  }
0x72: {  	[spmem:s2] =	stream.indirect.scatter.add.bf16 [tilespmem:s20], [sflag:$0x2], $0x10, s25, s12, $0xb8;
	[tilespmem:$0x18710] =	vst v63  }
0x73: {  	_ =	swait.ge [sflag:s26], $0x3E80  }
0x74: {  	[sflag:s26] =	ssyncset.done $0x0  }
0x75: {  	[sflag:s26] =	ssyncadd.s32 $0xFFFFC180  }
0x76: {  	_ =	swait.ge [sflag:s26], $0x3E80  }
0x77: {  	[sflag:s26] =	ssyncset.done $0x0  }
0x78: {  	[sflag:s26] =	ssyncadd.s32 $0xFFFFC180  }
0x79: {  	_ =	swait.ge [sflag:s26], $0x3E80  }
0x7a: {  	[sflag:s26] =	ssyncset.done $0x0  }
0x7b: {  	[sflag:s26] =	ssyncadd.s32 $0xFFFFC180  }
0x7c: {  	_ =	swait.ge [sflag:s26], $0x3E80  }
0x7d: {  	[sflag:s26] =	ssyncset.done $0x0  }
0x7e: {  	[sflag:s26] =	ssyncadd.s32 $0xFFFFC180  }
0x7f: {  	_ =	swait.ge [sflag:s26], $0x3E80  }
0x80: {  	[sflag:s26] =	ssyncset.done $0x0  }
.Ltmp1:
0x81: {  	[sflag:s26] =	ssyncadd.s32 $0xFFFFC180;
	(pc) =	sbr.rel @p0 .LBB2_1-.Ltmp1, $4  }
0x82: {  	[bflag:$0x0] =	sbarrier.arrive $0xFFFF  }
0x83: {  	[hbm:s28], [sflag:s5] =	dma.local [spmem:s7], $0x4F0  }
0x84: {  	_ =	swait.ge [sflag:s6], $0x4F0  }
0x85: {  	[sflag:s6] =	ssyncset.done $0x0  }
.LBB2_2:
0x86: {  	[sflag:s6] =	ssyncadd.s32 $0xFFFFFB10  }
0x87: {  	_ =	sfence.sel $0x180000  }
0x88: {  	[bflag:$0x0] =	sbarrier.arrive $0xFFFF  }
0x89: {  	_ =	strace $0x9000004A  }
0x8a: {  	[bflag:$0x2] =	sbarrier.arrive $0xFFFF  }
0x8b: {  	p0 =	sne.s32 s1, $0x0;
	s0 =	rddreg [dreg:$0x4]  }
0x8c: {  	s0 =	sadd.s32 @!p0 $0x100000, s0  }
0x8d: {  	[sflag:s0] =	ssyncadd.tile.s32 @!p0 $0x1;
	_ =	shalt  }
.Lfunc_end2:
_tile_overlayer_lowered:
.L_overlay_start_2:
0x8e: {  	(tag) =	ssettag $0x2  }
0x8f: {  	s0 =	rddreg [dreg:$0x0];
	s2 =	stileid.u32  }
0x90: {  	s1 =	rddreg [dreg:$0x1];
	p0 =	sne.s32 s2, $0x0  }
0x91: {  	s3 =	rddreg [dreg:$0x2];
	[bflag:$0x3] =	sbarrier.arrive $0xFFFF;
	s2 =	simm.s32 @!p0 $0x1C03  }
0x92: {  	[timem:s3], [sflag:s2] =	dma.local @!p0 [hbm:s0], s1  }
0x93: {  	s0 =	simm.s32 @!p0 $0x3  }
0x94: {  	_ =	swait.ge @!p0 [sflag:s0], s1  }
0x95: {  	s1 =	ssub.s32 @!p0 $0x0, s1;
	[sflag:s0] =	ssyncset.done @!p0 $0x0  }
0x96: {  	[sflag:s0] =	ssyncadd.s32 @!p0 s1  }
0x97: {  	[bflag:$0x3] =	sbarrier.arrive $0xFFFF  }
0x98: {  	_ =	shalt  }

// kernel: kernel.15.cloned.1.call-start
scs
__scs_entry_jumppad:
0x0: {  	(pc) =	sbr.rel $0x88, $3  }
0x1: {  	(tag) =	ssettag $0x0;
	lr =	simm.s32 $0x1  }
0x2: {  	[smem:$0x3F99] =	sst lr;
	_ =	strace $0xD0000000  }
0x3: {  	_ = 	snop  }
0x4: {  	_ = 	snop  }
0x5: {  	_ = 	snop  }
0x6: {  	_ = 	snop  }
0x7: {  	_ = 	snop  }
__scs_overlays_trampoline_lowered:
0x8: {  	[smem:$0x3FA8] =	sst s0  }
0x9: {  	[smem:$0x3FA9] =	sst s1  }
0xa: {  	[smem:$0x3FAA] =	sst s2  }
0xb: {  	[smem:$0x3FAB] =	sst s3  }
0xc: {  	[smem:$0x3FAC] =	sst s4  }
0xd: {  	[smem:$0x3FAD] =	sst s5  }
0xe: {  	[smem:$0x3FAE] =	sst s6  }
0xf: {  	[smem:$0x3FAF] =	sst s7  }
0x10: {  	[smem:$0x3FB0] =	sst s8  }
0x11: {  	[smem:$0x3FB1] =	sst s9;
	s0 =	simm.s32 @!p0 $0x0  }
0x12: {  	s1 =	sld [smem:$0x3F97];
	s0 =	simm.s32 @p0 $0x1  }
0x13: {  	[smem:$0x3FB2] =	sst s0;
	s0 =	simm.s32 @!p1 $0x0  }
0x14: {  	s2 =	sld [smem:$0x3F96];
	s0 =	simm.s32 @p1 $0x1  }
0x15: {  	[smem:$0x3FB3] =	sst s0;
	s0 =	simm.s32 @!p2 $0x0  }
0x16: {  	s3 =	sld [smem:$0x3FDB];
	s0 =	simm.s32 @p2 $0x1  }
0x17: {  	s4 =	simm.s32 $0x1BF5;
	[smem:$0x3FB5] =	sst s0  }
0x18: {  	s0 =	sld [smem:$0x3F98];
	_ =	swait.ge [sflag:s4], $0x0  }
0x19: {  	s7 =	sld [smem:$0x3F99]  }
0x1a: {  	s8 =	sadd.s32 $0xFFFFE003, lr  }
0x1b: {  	s9 =	sadd.s32 $0xFFFFFEF7, lr;
	s5 =	simm.s32 $0xFFFFFFFF;
	p2 =	slt.u32 s8, $0xFFFFF086  }
0x1c: {  	p1 =	slt.u32 s9, $0xF7A;
	s5 =	simm.s32 @!p2 $0x0  }
0x1d: {  	s5 =	simm.s32 @p1 $0x1;
	p0 =	seq.s32 s7, s2  }
0x1e: {  	s7 =	smul.u32 @!p0 $0xF7A, s2;
	p2 =	seq.s32 @!p0 s5, $0x0  }
0x1f: {  	s9 =	smul.u32 $0xF7A, s1;
	s8 =	simm.s32 @!p0 $0x1BF5;
	p2 =	por !p2, p0  }
0x20: {  	[sflag:s8] =	ssyncset.s32 @!p0 $0xFFFFF086;
	s6 =	sadd.s32 @!p0 s3, s7;
	s7 =	simm.s32 @!p0 $0x108  }
0x21: {  	s3 =	sadd.s32 s3, s9;
	s6 =	sadd.s32 @!p0 $0x88, s6;
	s7 =	simm.s32 @p2 $0x1082  }
0x22: {  	[simem:s7], [sflag:s8] =	dma.local @!p0 [hbm:s6], $0xF7A  }
0x23: {  	s9 =	sor.u32 $0xD0000000, s2;
	s6 =	simm.s32 $0x108;
	_ =	swait.ge @!p0 [sflag:s8], $0x0  }
0x24: {  	s3 =	sadd.s32 $0x88, s3;
	s6 =	simm.s32 @!p1 $0x1082;
	[sflag:s4] =	ssyncset.s32 $0xFFFFF086  }
0x25: {  	[simem:s6], [sflag:s4] =	dma.local [hbm:s3], $0xF7A  }
0x26: {  	[smem:$0x3F99] =	sst s1;
	(tag) =	ssettag s2;
	_ =	strace s9  }
0x27: {  	s1 =	sld [smem:$0x3FA9]  }
0x28: {  	s2 =	sld [smem:$0x3FAA]  }
0x29: {  	s4 =	sld [smem:$0x3FAC]  }
0x2a: {  	p0 =	seq.s32 s5, $0x0;
	s5 =	sld [smem:$0x3FAD]  }
0x2b: {  	s6 =	sld [smem:$0x3FAE]  }
0x2c: {  	s7 =	sld [smem:$0x3FAF]  }
0x2d: {  	s3 =	simm.s32 $0x108;
	s8 =	sld [smem:$0x3FB0]  }
0x2e: {  	s3 =	simm.s32 @!p0 $0x1082;
	s9 =	sld [smem:$0x3FB1]  }
0x2f: {  	lr =	sadd.s32 s0, s3;
	s0 =	sld [smem:$0x3FA8]  }
0x30: {  	s3 =	sld [smem:$0x3FAB]  }
0x31: {  	[smem:$0x3FB4] =	sst s10  }
0x32: {  	s10 =	sld [smem:$0x3FB2];
	_ =	sdelay $0x3  }
0x33: {  	p0 =	seq.s32 s10, $0x1;
	s10 =	sld [smem:$0x3FB4];
	_ =	sdelay $0x3  }
0x34: {  	[smem:$0x3FB4] =	sst s10  }
0x35: {  	s10 =	sld [smem:$0x3FB3];
	_ =	sdelay $0x3  }
0x36: {  	p1 =	seq.s32 s10, $0x1;
	s10 =	sld [smem:$0x3FB4];
	_ =	sdelay $0x3  }
0x37: {  	[smem:$0x3FB4] =	sst s10  }
0x38: {  	s10 =	sld [smem:$0x3FB5]  }
0x39: {  	_ = 	snop;
	(pc) =	sbr.ind lr, $3  }
0x3a: {  	_ = 	snop  }
0x3b: {  	_ = 	snop  }
0x3c: {  	p2 =	seq.s32 s10, $0x1;
	s10 =	sld [smem:$0x3FB4]  }
0x3d: {  	_ =	shalt  }
0x3e: {  	_ =	shalt  }
0x3f: {  	_ =	shalt  }
0x40: {  	_ =	shalt  }
0x41: {  	_ =	shalt  }
0x42: {  	_ =	shalt  }
0x43: {  	_ =	shalt  }
0x44: {  	_ =	shalt  }
0x45: {  	_ =	shalt  }
0x46: {  	_ =	shalt  }
0x47: {  	_ =	shalt  }
0x48: {  	_ =	shalt  }
0x49: {  	_ =	shalt  }
0x4a: {  	_ =	shalt  }
0x4b: {  	_ =	shalt  }
0x4c: {  	_ =	shalt  }
0x4d: {  	_ =	shalt  }
0x4e: {  	_ =	shalt  }
0x4f: {  	_ =	shalt  }
0x50: {  	_ =	shalt  }
0x51: {  	_ =	shalt  }
0x52: {  	_ =	shalt  }
0x53: {  	_ =	shalt  }
0x54: {  	_ =	shalt  }
0x55: {  	_ =	shalt  }
0x56: {  	_ =	shalt  }
0x57: {  	_ =	shalt  }
0x58: {  	_ =	shalt  }
0x59: {  	_ =	shalt  }
0x5a: {  	_ =	shalt  }
0x5b: {  	_ =	shalt  }
0x5c: {  	_ =	shalt  }
0x5d: {  	_ =	shalt  }
0x5e: {  	_ =	shalt  }
0x5f: {  	_ =	shalt  }
0x60: {  	_ =	shalt  }
0x61: {  	_ =	shalt  }
0x62: {  	_ =	shalt  }
0x63: {  	_ =	shalt  }
0x64: {  	_ =	shalt  }
0x65: {  	_ =	shalt  }
0x66: {  	_ =	shalt  }
0x67: {  	_ =	shalt  }
0x68: {  	_ =	shalt  }
0x69: {  	_ =	shalt  }
0x6a: {  	_ =	shalt  }
0x6b: {  	_ =	shalt  }
0x6c: {  	_ =	shalt  }
0x6d: {  	_ =	shalt  }
0x6e: {  	_ =	shalt  }
0x6f: {  	_ =	shalt  }
0x70: {  	_ =	shalt  }
0x71: {  	_ =	shalt  }
0x72: {  	_ =	shalt  }
0x73: {  	_ =	shalt  }
0x74: {  	_ =	shalt  }
0x75: {  	_ =	shalt  }
0x76: {  	_ =	shalt  }
0x77: {  	_ =	shalt  }
0x78: {  	_ =	shalt  }
0x79: {  	_ =	shalt  }
0x7a: {  	_ =	shalt  }
0x7b: {  	_ =	shalt  }
0x7c: {  	_ =	shalt  }
0x7d: {  	_ =	shalt  }
0x7e: {  	_ =	shalt  }
0x7f: {  	_ =	shalt  }
0x80: {  	_ =	shalt  }
0x81: {  	_ =	shalt  }
0x82: {  	_ =	shalt  }
0x83: {  	_ =	shalt  }
0x84: {  	_ =	shalt  }
0x85: {  	_ =	shalt  }
0x86: {  	_ =	shalt  }
0x87: {  	_ =	shalt  }
.Lfunc_end0:
.L_simem_size_0:
called_computation.2_lowered:
.L_overlay_start_0:
0x88: {  	s2 =	sld [smem:$0x3FD9]  }
0x89: {  	s3 =	sld [smem:$0x3FFE];
	_ =	sdelay $0x1  }
0x8a: {  	s1 =	srdreg.scid  }
0x8b: {  	s0 =	sand.u32 $0x1, s1  }
0x8c: {  	s14 =	sshll.u32 s0, $0xA;
	s2 =	sadd.s32 s3, s2  }
0x8d: {  	s2 =	sadd.s32 s2, s14  }
0x8e: {  	[smem:$0x3FC0] =	sst s2  }
0x8f: {  	_ = 	snop  }
0x90: {  	s2 =	sld [smem:$0x3FD0];
	_ =	sdelay $0x2  }
0x91: {  	s15 =	simm.s32 $0xA;
	s4 =	simm.s32 $0x10  }
0x92: {  	[smem:s4], [sflag:s15] =	dma.local [hbm:s2], $0x1  }
0x93: {  	_ =	swait.eq [sflag:s15], $0x1  }
0x94: {  	[sflag:s15] =	ssyncset.done $0x0  }
0x95: {  	s16 =	sld [smem:$0x10];
	[sflag:s15] =	ssyncadd.s32 $0xFFFFFFFF  }
0x96: {  	s17 =	sld [smem:$0x11];
	(tm) =	ssettm $0x1  }
0x97: {  	s18 =	sld [smem:$0x3FFB];
	_ =	sdelay $0x3  }
0x98: {  	_ =	strace s18  }
0x99: {  	s4 =	sld [smem:$0x3FFC];
	_ =	sdelay $0x3  }
0x9a: {  	_ =	strace s4  }
0x9b: {  	s4 =	sld [smem:$0x3FFD];
	_ =	sdelay $0x3  }
0x9c: {  	_ =	strace s4  }
0x9d: {  	_ =	strace $0x8FFFFFFF  }
0x9e: {  	s19 =	sld [smem:$0x3FDB];
	_ =	sdelay $0x1  }
0x9f: {  	s5 =	simm.s32 $_scs_section_size  }
0xa0: {  	s6 =	simm.s32 $_size__tile_overlayer_lowered;
	s7 =	simm.s32 $_tile_overlayer_lowered  }
0xa1: {  	s22 =	simm.s32 $0x1BFF;
	s21 =	sshll.u32 s7, $0x1;
	s4 =	sadd.s32 s5, s19  }
0xa2: {  	s8 =	simm.s32 $0x0;
	s20 =	sshll.u32 s6, $0x1;
	s6 =	sadd.s32 s21, s4  }
0xa3: {  	[timem:s8], [sflag:s22] =	dma.local [hbm:s6], s20  }
0xa4: {  	_ =	swait.ge [sflag:s22], s20  }
0xa5: {  	s5 =	ssub.s32 $0x0, s20;
	[sflag:s22] =	ssyncset.done $0x0  }
0xa6: {  	[sflag:s22] =	ssyncadd.s32 s5;
	_ =	sdelay $0x1  }
0xa7: {  	s23 =	simm.s32 $0x1B8B  }
0xa8: {  	_ =	swait.ge [sflag:s23], $0x1  }
0xa9: {  	[sflag:s23] =	ssyncset.done $0x0  }
0xaa: {  	s25 =	simm.s32 $0x1B8E;
	s24 =	sld [smem:$0x3FFE];
	[sflag:s23] =	ssyncadd.s32 $0xFFFFFFFF  }
0xab: {  	s26 =	simm.s32 $execute0_lowered;
	[smem:$0x3FD2] =	sst s25  }
0xac: {  	s6 =	sshll.u32 s26, $0x1;
	_ =	strace $0x8000004C;
	[dreg:$0x1] =	wrdreg $0xFFFFFFFF  }
0xad: {  	s28 =	simm.s32 $_size_execute0_lowered;
	s4 =	sadd.s32 s4, s6;
	[dreg:$0x0] =	wrdreg $0x0  }
0xae: {  	s6 =	sshll.u32 s28, $0x1;
	[dreg:$0x2] =	wrdreg s4  }
0xaf: {  	[dreg:$0x3] =	wrdreg s6  }
0xb0: {  	[dreg:$0x4] =	wrdreg $0xC0  }
0xb1: {  	_ =	task [dreg:s8], $0x5FFFF  }
0xb2: {  	[dreg:$0x1] =	wrdreg $0xFFFFFFFF  }
0xb3: {  	[dreg:$0x0] =	wrdreg $0x60  }
0xb4: {  	[dreg:$0x2] =	wrdreg s24  }
0xb5: {  	[dreg:$0x3] =	wrdreg s16  }
0xb6: {  	[dreg:$0x4] =	wrdreg s17  }
0xb7: {  	[dreg:$0x5] =	wrdreg $0x15F900  }
0xb8: {  	[dreg:$0x6] =	wrdreg $0x9  }
0xb9: {  	_ =	task.clear_ibuf [dreg:s8], $0x7FFFF;
	_ =	strace $0x9000004C  }
0xba: {  	s29 =	simm.s32 $0x9;
	_ =	strace $0x8000004E  }
0xbb: {  	_ =	swait.ge [sflag:s29], $0x1  }
0xbc: {  	[sflag:s29] =	ssyncadd.s32 $0xFFFFFFFF  }
0xbd: {  	_ =	strace $0x9000004E  }
0xbe: {  	_ =	sfence  }
0xbf: {  	s30 =	sld [smem:$0x0];
	_ =	sdelay $0x2  }
0xc0: {  	s31 =	sshll.u32 s1, $0xD;
	s1 =	sshrl.u32 s1, $0x2  }
0xc1: {  	s3 =	sand.u32 $0x4000, s31;
	s1 =	sadd.s32 s1, s30  }
0xc2: {  	s0 =	sor.u32 s3, s0;
	s1 =	sshll.u32 s1, $0x11  }
0xc3: {  	s0 =	sor.u32 s1, s0  }
0xc4: {  	s0 =	sadd.s32 $0x8F2B, s0  }
0xc5: {  	[sflag:s0] =	ssyncadd.remote.s32 $0x1  }
0xc6: {  	_ =	sfence.sel $0xFFFF  }
0xc7: {  	[dreg:$0x0] =	wrdreg $0xFFFFFFFF;
	(pc) =	sbr.abs _section_cstart, $3  }
0xc8: {  	[dreg:$0x1] =	wrdreg $0xFFFFFFFF  }
0xc9: {  	_ =	task.clear_ibuf [dreg:s8], $0x2FFFF;
	_ =	strace $0x9FFFFFFF  }
0xca: {  	(tm) =	ssettm $0x7FFFFFFF  }
0xcb: {  	_ =	shalt  }
tec
execute0_lowered:
.L_overlay_start_1:
0x0: {  	(tag) =	ssettag $0x1  }
0x1: {  	s11 =	rddreg [dreg:$0x0]  }
0x2: {  	s4 =	rddreg [dreg:$0x1]  }
0x3: {  	s28 =	rddreg [dreg:$0x2]  }
0x4: {  	s2 =	rddreg [dreg:$0x3]  }
0x5: {  	s5 =	srdreg.scid;
	s3 =	simm.s32 $0x0;
	s1 =	stileid.u32  }
0x6: {  	s29 =	sand.u32 $0x1, s5;
	[smem:$0x7FF] =	sst s3;
	s6 =	smul.u32 $0x4F00, s1  }
0x7: {  	s31 =	sshll.u32 s1, $0x6;
	s5 =	sshll.u32 s29, $0x4;
	_ =	strace $0x8000004D  }
0x8: {  	s5 =	sor.u32 s1, s5;
	s25 =	sshrl.u32 s6, $0x1;
	s30 =	sshrl.u32 s6, $0x4  }
0x9: {  	s6 =	simm.s32 $0x3;
	s8 =	smul.u32 $0x271, s5;
	s26 =	sadd.s32 s25, s2  }
0xa: {  	s4 =	sadd.s32 s4, s30;
	s5 =	sor.u32 $0x1C03, s31;
	s7 =	sshrl.u32 s26, $0x3  }
0xb: {  	[spmem:s7], [sflag:s5] =	dma.local [hbm:s4], $0x4F0  }
0xc: {  	_ =	swait.ge [sflag:s6], $0x4F0  }
0xd: {  	s9 =	sadd.s32 s8, s11;
	[sflag:s6] =	ssyncset.done $0x0  }
0xe: {  	s8 =	sadd.s32 $0x1600, s9;
	[sflag:s6] =	ssyncadd.s32 $0xFFFFFB10  }
0xf: {  	[tilespmem:s3], [sflag:$0x3] =	stream.linear.gather [hbm4b:s8+s3], $0x1388, $0x38;
	[tilespmem:$0x18710] =	vst v63  }
0x10: {  	_ =	swait.ge [sflag:s6], $0x1388  }
0x11: {  	[sflag:s6] =	ssyncset.done $0x0  }
0x12: {  	s10 =	simm.s32 $0x1388;
	s9 =	sadd.s32 $0x6600, s9;
	[sflag:s6] =	ssyncadd.s32 $0xFFFFEC78  }
0x13: {  	[tilespmem:s10], [sflag:$0x3] =	stream.linear.gather [hbm4b:s9+s3], $0x1388, $0x38;
	[tilespmem:$0x18710] =	vst v63  }
0x14: {  	_ =	swait.ge [sflag:s6], $0x1388  }
0x15: {  	[sflag:s6] =	ssyncset.done $0x0  }
0x16: {  	s12 =	simm.s32 $0x3E8;
	[sflag:s6] =	ssyncadd.s32 $0xFFFFEC78  }
0x17: {  	s13 =	simm.s32 $0x2710;
	s11 =	sadd.s32 $0xB600, s11;
	[bflag:$0x0] =	sbarrier.arrive $0xFFFF  }
0x18: {  	[tilespmem:s13], [sflag:$0x1] =	stream.indirect.gather [hbm4b:s11+s12], $0x10, s3, s12, $0xb8;
	[tilespmem:$0x18710] =	vst v63  }
0x19: {  	s14 =	simm.s32 $0x6590  }
0x1a: {  	[tilespmem:s14], [sflag:$0x1] =	stream.indirect.gather [hbm4b:s11+s12], $0x10, s12, s12, $0xb8;
	[tilespmem:$0x18710] =	vst v63  }
0x1b: {  	s15 =	simm.s32 $0x7D0;
	s16 =	simm.s32 $0xA410  }
0x1c: {  	[tilespmem:s16], [sflag:$0x1] =	stream.indirect.gather [hbm4b:s11+s12], $0x10, s15, s12, $0xb8;
	[tilespmem:$0x18710] =	vst v63  }
0x1d: {  	s17 =	simm.s32 $0xBB8;
	s18 =	simm.s32 $0xE290  }
0x1e: {  	[tilespmem:s18], [sflag:$0x1] =	stream.indirect.gather [hbm4b:s11+s12], $0x10, s17, s12, $0xb8;
	[tilespmem:$0x18710] =	vst v63  }
0x1f: {  	s19 =	simm.s32 $0xFA0;
	s20 =	simm.s32 $0x12110;
	s21 =	simm.s32 $0x1  }
0x20: {  	[tilespmem:s20], [sflag:$0x1] =	stream.indirect.gather [hbm4b:s11+s12], $0x10, s19, s12, $0xb8;
	[tilespmem:$0x18710] =	vst v63  }
0x21: {  	_ =	swait.ge [sflag:s21], $0x3E80  }
0x22: {  	[sflag:s21] =	ssyncset.done $0x0  }
0x23: {  	[sflag:s21] =	ssyncadd.s32 $0xFFFFC180  }
0x24: {  	[spmem:s2] =	stream.indirect.scatter.add.bf16 [tilespmem:s13], [sflag:$0x2], $0x10, s10, s12, $0xb8;
	[tilespmem:$0x18710] =	vst v63  }
0x25: {  	_ =	swait.ge [sflag:s21], $0x3E80  }
0x26: {  	[sflag:s21] =	ssyncset.done $0x0  }
0x27: {  	s22 =	simm.s32 $0x1770;
	[sflag:s21] =	ssyncadd.s32 $0xFFFFC180  }
0x28: {  	[spmem:s2] =	stream.indirect.scatter.add.bf16 [tilespmem:s14], [sflag:$0x2], $0x10, s22, s12, $0xb8;
	[tilespmem:$0x18710] =	vst v63  }
0x29: {  	_ =	swait.ge [sflag:s21], $0x3E80  }
0x2a: {  	[sflag:s21] =	ssyncset.done $0x0  }
0x2b: {  	s23 =	simm.s32 $0x1B58;
	[sflag:s21] =	ssyncadd.s32 $0xFFFFC180  }
0x2c: {  	[spmem:s2] =	stream.indirect.scatter.add.bf16 [tilespmem:s16], [sflag:$0x2], $0x10, s23, s12, $0xb8;
	[tilespmem:$0x18710] =	vst v63  }
0x2d: {  	_ =	swait.ge [sflag:s21], $0x3E80  }
0x2e: {  	[sflag:s21] =	ssyncset.done $0x0  }
0x2f: {  	s24 =	simm.s32 $0x1F40;
	[sflag:s21] =	ssyncadd.s32 $0xFFFFC180  }
0x30: {  	[spmem:s2] =	stream.indirect.scatter.add.bf16 [tilespmem:s18], [sflag:$0x2], $0x10, s24, s12, $0xb8;
	[tilespmem:$0x18710] =	vst v63  }
0x31: {  	_ =	swait.ge [sflag:s21], $0x3E80  }
0x32: {  	[sflag:s21] =	ssyncset.done $0x0  }
0x33: {  	s25 =	simm.s32 $0x2328;
	s26 =	simm.s32 $0x2;
	[sflag:s21] =	ssyncadd.s32 $0xFFFFC180  }
0x34: {  	[spmem:s2] =	stream.indirect.scatter.add.bf16 [tilespmem:s20], [sflag:$0x2], $0x10, s25, s12, $0xb8;
	[tilespmem:$0x18710] =	vst v63  }
0x35: {  	_ =	swait.ge [sflag:s26], $0x3E80  }
0x36: {  	[sflag:s26] =	ssyncset.done $0x0  }
0x37: {  	[sflag:s26] =	ssyncadd.s32 $0xFFFFC180  }
0x38: {  	_ =	swait.ge [sflag:s26], $0x3E80  }
0x39: {  	[sflag:s26] =	ssyncset.done $0x0  }
0x3a: {  	[sflag:s26] =	ssyncadd.s32 $0xFFFFC180  }
0x3b: {  	_ =	swait.ge [sflag:s26], $0x3E80  }
0x3c: {  	[sflag:s26] =	ssyncset.done $0x0  }
0x3d: {  	[sflag:s26] =	ssyncadd.s32 $0xFFFFC180  }
0x3e: {  	s31 =	ssub.s32 $0x2, s29;
	_ =	swait.ge [sflag:s26], $0x3E80  }
0x3f: {  	s0 =	sshrl.u32 s31, $0x1;
	[sflag:s26] =	ssyncset.done $0x0  }
0x40: {  	s0 =	ssub.s32 s31, s0;
	[sflag:s26] =	ssyncadd.s32 $0xFFFFC180  }
0x41: {  	s29 =	smul.u32 $0x4F00, s29;
	s0 =	smax.u32 s0, $0x1;
	_ =	swait.ge [sflag:s26], $0x3E80  }
0x42: {  	p0 =	sne.s32 s0, $0x1;
	[sflag:s26] =	ssyncset.done $0x0  }
.Ltmp0:
0x43: {  	s28 =	sadd.s32 s28, s29;
	[sflag:s26] =	ssyncadd.s32 $0xFFFFC180;
	(pc) =	sbr.rel @!p0 .LBB2_2-.Ltmp0, $4  }
0x44: {  	s28 =	sadd.s32 s30, s28;
	[bflag:$0x0] =	sbarrier.arrive $0xFFFF  }
0x45: {  	[hbm:s28], [sflag:s5] =	dma.local [spmem:s7], $0x4F0  }
0x46: {  	_ =	swait.ge [sflag:s6], $0x4F0  }
0x47: {  	s29 =	sadd.s32 $0xFFFFFFFF, s0;
	[sflag:s6] =	ssyncset.done $0x0  }
.LBB2_1:
0x48: {  	p0 =	sne.s32 s29, $0x1;
	s29 =	sadd.s32 $0xFFFFFFFF, s29;
	[sflag:s6] =	ssyncadd.s32 $0xFFFFFB10  }
0x49: {  	[spmem:s7], [sflag:s5] =	dma.local [hbm:s4], $0x4F0  }
0x4a: {  	_ =	swait.ge [sflag:s6], $0x4F0  }
0x4b: {  	[sflag:s6] =	ssyncset.done $0x0  }
0x4c: {  	[sflag:s6] =	ssyncadd.s32 $0xFFFFFB10  }
0x4d: {  	[tilespmem:s3], [sflag:$0x3] =	stream.linear.gather [hbm4b:s8+s3], $0x1388, $0x38;
	[tilespmem:$0x18710] =	vst v63  }
0x4e: {  	_ =	swait.ge [sflag:s6], $0x1388  }
0x4f: {  	[sflag:s6] =	ssyncset.done $0x0  }
0x50: {  	[sflag:s6] =	ssyncadd.s32 $0xFFFFEC78  }
0x51: {  	[tilespmem:s10], [sflag:$0x3] =	stream.linear.gather [hbm4b:s9+s3], $0x1388, $0x38;
	[tilespmem:$0x18710] =	vst v63  }
0x52: {  	_ =	swait.ge [sflag:s6], $0x1388  }
0x53: {  	[sflag:s6] =	ssyncset.done $0x0  }
0x54: {  	[sflag:s6] =	ssyncadd.s32 $0xFFFFEC78  }
0x55: {  	[bflag:$0x0] =	sbarrier.arrive $0xFFFF  }
0x56: {  	[tilespmem:s13], [sflag:$0x1] =	stream.indirect.gather [hbm4b:s11+s12], $0x10, s3, s12, $0xb8;
	[tilespmem:$0x18710] =	vst v63  }
0x57: {  	_ = 	snop  }
0x58: {  	[tilespmem:s14], [sflag:$0x1] =	stream.indirect.gather [hbm4b:s11+s12], $0x10, s12, s12, $0xb8;
	[tilespmem:$0x18710] =	vst v63  }
0x59: {  	_ = 	snop  }
0x5a: {  	[tilespmem:s16], [sflag:$0x1] =	stream.indirect.gather [hbm4b:s11+s12], $0x10, s15, s12, $0xb8;
	[tilespmem:$0x18710] =	vst v63  }
0x5b: {  	_ = 	snop  }
0x5c: {  	[tilespmem:s18], [sflag:$0x1] =	stream.indirect.gather [hbm4b:s11+s12], $0x10, s17, s12, $0xb8;
	[tilespmem:$0x18710] =	vst v63  }
0x5d: {  	_ = 	snop  }
0x5e: {  	[tilespmem:s20], [sflag:$0x1] =	stream.indirect.gather [hbm4b:s11+s12], $0x10, s19, s12, $0xb8;
	[tilespmem:$0x18710] =	vst v63  }
0x5f: {  	_ =	swait.ge [sflag:s21], $0x3E80  }
0x60: {  	[sflag:s21] =	ssyncset.done $0x0  }
0x61: {  	[sflag:s21] =	ssyncadd.s32 $0xFFFFC180  }
0x62: {  	[spmem:s2] =	stream.indirect.scatter.add.bf16 [tilespmem:s13], [sflag:$0x2], $0x10, s10, s12, $0xb8;
	[tilespmem:$0x18710] =	vst v63  }
0x63: {  	_ =	swait.ge [sflag:s21], $0x3E80  }
0x64: {  	[sflag:s21] =	ssyncset.done $0x0  }
0x65: {  	[sflag:s21] =	ssyncadd.s32 $0xFFFFC180  }
0x66: {  	[spmem:s2] =	stream.indirect.scatter.add.bf16 [tilespmem:s14], [sflag:$0x2], $0x10, s22, s12, $0xb8;
	[tilespmem:$0x18710] =	vst v63  }
0x67: {  	_ =	swait.ge [sflag:s21], $0x3E80  }
0x68: {  	[sflag:s21] =	ssyncset.done $0x0  }
0x69: {  	[sflag:s21] =	ssyncadd.s32 $0xFFFFC180  }
0x6a: {  	[spmem:s2] =	stream.indirect.scatter.add.bf16 [tilespmem:s16], [sflag:$0x2], $0x10, s23, s12, $0xb8;
	[tilespmem:$0x18710] =	vst v63  }
0x6b: {  	_ =	swait.ge [sflag:s21], $0x3E80  }
0x6c: {  	[sflag:s21] =	ssyncset.done $0x0  }
0x6d: {  	[sflag:s21] =	ssyncadd.s32 $0xFFFFC180  }
0x6e: {  	[spmem:s2] =	stream.indirect.scatter.add.bf16 [tilespmem:s18], [sflag:$0x2], $0x10, s24, s12, $0xb8;
	[tilespmem:$0x18710] =	vst v63  }
0x6f: {  	_ =	swait.ge [sflag:s21], $0x3E80  }
0x70: {  	[sflag:s21] =	ssyncset.done $0x0  }
0x71: {  	[sflag:s21] =	ssyncadd.s32 $0xFFFFC180  }
0x72: {  	[spmem:s2] =	stream.indirect.scatter.add.bf16 [tilespmem:s20], [sflag:$0x2], $0x10, s25, s12, $0xb8;
	[tilespmem:$0x18710] =	vst v63  }
0x73: {  	_ =	swait.ge [sflag:s26], $0x3E80  }
0x74: {  	[sflag:s26] =	ssyncset.done $0x0  }
0x75: {  	[sflag:s26] =	ssyncadd.s32 $0xFFFFC180  }
0x76: {  	_ =	swait.ge [sflag:s26], $0x3E80  }
0x77: {  	[sflag:s26] =	ssyncset.done $0x0  }
0x78: {  	[sflag:s26] =	ssyncadd.s32 $0xFFFFC180  }
0x79: {  	_ =	swait.ge [sflag:s26], $0x3E80  }
0x7a: {  	[sflag:s26] =	ssyncset.done $0x0  }
0x7b: {  	[sflag:s26] =	ssyncadd.s32 $0xFFFFC180  }
0x7c: {  	_ =	swait.ge [sflag:s26], $0x3E80  }
0x7d: {  	[sflag:s26] =	ssyncset.done $0x0  }
0x7e: {  	[sflag:s26] =	ssyncadd.s32 $0xFFFFC180  }
0x7f: {  	_ =	swait.ge [sflag:s26], $0x3E80  }
0x80: {  	[sflag:s26] =	ssyncset.done $0x0  }
.Ltmp1:
0x81: {  	[sflag:s26] =	ssyncadd.s32 $0xFFFFC180;
	(pc) =	sbr.rel @p0 .LBB2_1-.Ltmp1, $4  }
0x82: {  	[bflag:$0x0] =	sbarrier.arrive $0xFFFF  }
0x83: {  	[hbm:s28], [sflag:s5] =	dma.local [spmem:s7], $0x4F0  }
0x84: {  	_ =	swait.ge [sflag:s6], $0x4F0  }
0x85: {  	[sflag:s6] =	ssyncset.done $0x0  }
.LBB2_2:
0x86: {  	[sflag:s6] =	ssyncadd.s32 $0xFFFFFB10  }
0x87: {  	_ =	sfence.sel $0x180000  }
0x88: {  	[bflag:$0x0] =	sbarrier.arrive $0xFFFF  }
0x89: {  	_ =	strace $0x9000004D  }
0x8a: {  	[bflag:$0x2] =	sbarrier.arrive $0xFFFF  }
0x8b: {  	p0 =	sne.s32 s1, $0x0;
	s0 =	rddreg [dreg:$0x4]  }
0x8c: {  	s0 =	sadd.s32 @!p0 $0x100000, s0  }
0x8d: {  	[sflag:s0] =	ssyncadd.tile.s32 @!p0 $0x1;
	_ =	shalt  }
.Lfunc_end2:
_tile_overlayer_lowered:
.L_overlay_start_2:
0x8e: {  	(tag) =	ssettag $0x2  }
0x8f: {  	s0 =	rddreg [dreg:$0x0];
	s2 =	stileid.u32  }
0x90: {  	s1 =	rddreg [dreg:$0x1];
	p0 =	sne.s32 s2, $0x0  }
0x91: {  	s3 =	rddreg [dreg:$0x2];
	[bflag:$0x3] =	sbarrier.arrive $0xFFFF;
	s2 =	simm.s32 @!p0 $0x1C03  }
0x92: {  	[timem:s3], [sflag:s2] =	dma.local @!p0 [hbm:s0], s1  }
0x93: {  	s0 =	simm.s32 @!p0 $0x3  }
0x94: {  	_ =	swait.ge @!p0 [sflag:s0], s1  }
0x95: {  	s1 =	ssub.s32 @!p0 $0x0, s1;
	[sflag:s0] =	ssyncset.done @!p0 $0x0  }
0x96: {  	[sflag:s0] =	ssyncadd.s32 @!p0 s1  }
0x97: {  	[bflag:$0x3] =	sbarrier.arrive $0xFFFF  }
0x98: {  	_ =	shalt  }

// kernel: kernel.9.cloned.1.call-start
scs
__scs_entry_jumppad:
0x0: {  	(pc) =	sbr.rel $0x88, $3  }
0x1: {  	(tag) =	ssettag $0x0;
	lr =	simm.s32 $0x1  }
0x2: {  	[smem:$0x3F99] =	sst lr;
	_ =	strace $0xD0000000  }
0x3: {  	_ = 	snop  }
0x4: {  	_ = 	snop  }
0x5: {  	_ = 	snop  }
0x6: {  	_ = 	snop  }
0x7: {  	_ = 	snop  }
__scs_overlays_trampoline_lowered:
0x8: {  	[smem:$0x3FA8] =	sst s0  }
0x9: {  	[smem:$0x3FA9] =	sst s1  }
0xa: {  	[smem:$0x3FAA] =	sst s2  }
0xb: {  	[smem:$0x3FAB] =	sst s3  }
0xc: {  	[smem:$0x3FAC] =	sst s4  }
0xd: {  	[smem:$0x3FAD] =	sst s5  }
0xe: {  	[smem:$0x3FAE] =	sst s6  }
0xf: {  	[smem:$0x3FAF] =	sst s7  }
0x10: {  	[smem:$0x3FB0] =	sst s8  }
0x11: {  	[smem:$0x3FB1] =	sst s9;
	s0 =	simm.s32 @!p0 $0x0  }
0x12: {  	s1 =	sld [smem:$0x3F97];
	s0 =	simm.s32 @p0 $0x1  }
0x13: {  	[smem:$0x3FB2] =	sst s0;
	s0 =	simm.s32 @!p1 $0x0  }
0x14: {  	s2 =	sld [smem:$0x3F96];
	s0 =	simm.s32 @p1 $0x1  }
0x15: {  	[smem:$0x3FB3] =	sst s0;
	s0 =	simm.s32 @!p2 $0x0  }
0x16: {  	s3 =	sld [smem:$0x3FDB];
	s0 =	simm.s32 @p2 $0x1  }
0x17: {  	s4 =	simm.s32 $0x1BF5;
	[smem:$0x3FB5] =	sst s0  }
0x18: {  	s0 =	sld [smem:$0x3F98];
	_ =	swait.ge [sflag:s4], $0x0  }
0x19: {  	s7 =	sld [smem:$0x3F99]  }
0x1a: {  	s8 =	sadd.s32 $0xFFFFE003, lr  }
0x1b: {  	s9 =	sadd.s32 $0xFFFFFEF7, lr;
	s5 =	simm.s32 $0xFFFFFFFF;
	p2 =	slt.u32 s8, $0xFFFFF086  }
0x1c: {  	p1 =	slt.u32 s9, $0xF7A;
	s5 =	simm.s32 @!p2 $0x0  }
0x1d: {  	s5 =	simm.s32 @p1 $0x1;
	p0 =	seq.s32 s7, s2  }
0x1e: {  	s7 =	smul.u32 @!p0 $0xF7A, s2;
	p2 =	seq.s32 @!p0 s5, $0x0  }
0x1f: {  	s9 =	smul.u32 $0xF7A, s1;
	s8 =	simm.s32 @!p0 $0x1BF5;
	p2 =	por !p2, p0  }
0x20: {  	[sflag:s8] =	ssyncset.s32 @!p0 $0xFFFFF086;
	s6 =	sadd.s32 @!p0 s3, s7;
	s7 =	simm.s32 @!p0 $0x108  }
0x21: {  	s3 =	sadd.s32 s3, s9;
	s6 =	sadd.s32 @!p0 $0x88, s6;
	s7 =	simm.s32 @p2 $0x1082  }
0x22: {  	[simem:s7], [sflag:s8] =	dma.local @!p0 [hbm:s6], $0xF7A  }
0x23: {  	s9 =	sor.u32 $0xD0000000, s2;
	s6 =	simm.s32 $0x108;
	_ =	swait.ge @!p0 [sflag:s8], $0x0  }
0x24: {  	s3 =	sadd.s32 $0x88, s3;
	s6 =	simm.s32 @!p1 $0x1082;
	[sflag:s4] =	ssyncset.s32 $0xFFFFF086  }
0x25: {  	[simem:s6], [sflag:s4] =	dma.local [hbm:s3], $0xF7A  }
0x26: {  	[smem:$0x3F99] =	sst s1;
	(tag) =	ssettag s2;
	_ =	strace s9  }
0x27: {  	s1 =	sld [smem:$0x3FA9]  }
0x28: {  	s2 =	sld [smem:$0x3FAA]  }
0x29: {  	s4 =	sld [smem:$0x3FAC]  }
0x2a: {  	p0 =	seq.s32 s5, $0x0;
	s5 =	sld [smem:$0x3FAD]  }
0x2b: {  	s6 =	sld [smem:$0x3FAE]  }
0x2c: {  	s7 =	sld [smem:$0x3FAF]  }
0x2d: {  	s3 =	simm.s32 $0x108;
	s8 =	sld [smem:$0x3FB0]  }
0x2e: {  	s3 =	simm.s32 @!p0 $0x1082;
	s9 =	sld [smem:$0x3FB1]  }
0x2f: {  	lr =	sadd.s32 s0, s3;
	s0 =	sld [smem:$0x3FA8]  }
0x30: {  	s3 =	sld [smem:$0x3FAB]  }
0x31: {  	[smem:$0x3FB4] =	sst s10  }
0x32: {  	s10 =	sld [smem:$0x3FB2];
	_ =	sdelay $0x3  }
0x33: {  	p0 =	seq.s32 s10, $0x1;
	s10 =	sld [smem:$0x3FB4];
	_ =	sdelay $0x3  }
0x34: {  	[smem:$0x3FB4] =	sst s10  }
0x35: {  	s10 =	sld [smem:$0x3FB3];
	_ =	sdelay $0x3  }
0x36: {  	p1 =	seq.s32 s10, $0x1;
	s10 =	sld [smem:$0x3FB4];
	_ =	sdelay $0x3  }
0x37: {  	[smem:$0x3FB4] =	sst s10  }
0x38: {  	s10 =	sld [smem:$0x3FB5]  }
0x39: {  	_ = 	snop;
	(pc) =	sbr.ind lr, $3  }
0x3a: {  	_ = 	snop  }
0x3b: {  	_ = 	snop  }
0x3c: {  	p2 =	seq.s32 s10, $0x1;
	s10 =	sld [smem:$0x3FB4]  }
0x3d: {  	_ =	shalt  }
0x3e: {  	_ =	shalt  }
0x3f: {  	_ =	shalt  }
0x40: {  	_ =	shalt  }
0x41: {  	_ =	shalt  }
0x42: {  	_ =	shalt  }
0x43: {  	_ =	shalt  }
0x44: {  	_ =	shalt  }
0x45: {  	_ =	shalt  }
0x46: {  	_ =	shalt  }
0x47: {  	_ =	shalt  }
0x48: {  	_ =	shalt  }
0x49: {  	_ =	shalt  }
0x4a: {  	_ =	shalt  }
0x4b: {  	_ =	shalt  }
0x4c: {  	_ =	shalt  }
0x4d: {  	_ =	shalt  }
0x4e: {  	_ =	shalt  }
0x4f: {  	_ =	shalt  }
0x50: {  	_ =	shalt  }
0x51: {  	_ =	shalt  }
0x52: {  	_ =	shalt  }
0x53: {  	_ =	shalt  }
0x54: {  	_ =	shalt  }
0x55: {  	_ =	shalt  }
0x56: {  	_ =	shalt  }
0x57: {  	_ =	shalt  }
0x58: {  	_ =	shalt  }
0x59: {  	_ =	shalt  }
0x5a: {  	_ =	shalt  }
0x5b: {  	_ =	shalt  }
0x5c: {  	_ =	shalt  }
0x5d: {  	_ =	shalt  }
0x5e: {  	_ =	shalt  }
0x5f: {  	_ =	shalt  }
0x60: {  	_ =	shalt  }
0x61: {  	_ =	shalt  }
0x62: {  	_ =	shalt  }
0x63: {  	_ =	shalt  }
0x64: {  	_ =	shalt  }
0x65: {  	_ =	shalt  }
0x66: {  	_ =	shalt  }
0x67: {  	_ =	shalt  }
0x68: {  	_ =	shalt  }
0x69: {  	_ =	shalt  }
0x6a: {  	_ =	shalt  }
0x6b: {  	_ =	shalt  }
0x6c: {  	_ =	shalt  }
0x6d: {  	_ =	shalt  }
0x6e: {  	_ =	shalt  }
0x6f: {  	_ =	shalt  }
0x70: {  	_ =	shalt  }
0x71: {  	_ =	shalt  }
0x72: {  	_ =	shalt  }
0x73: {  	_ =	shalt  }
0x74: {  	_ =	shalt  }
0x75: {  	_ =	shalt  }
0x76: {  	_ =	shalt  }
0x77: {  	_ =	shalt  }
0x78: {  	_ =	shalt  }
0x79: {  	_ =	shalt  }
0x7a: {  	_ =	shalt  }
0x7b: {  	_ =	shalt  }
0x7c: {  	_ =	shalt  }
0x7d: {  	_ =	shalt  }
0x7e: {  	_ =	shalt  }
0x7f: {  	_ =	shalt  }
0x80: {  	_ =	shalt  }
0x81: {  	_ =	shalt  }
0x82: {  	_ =	shalt  }
0x83: {  	_ =	shalt  }
0x84: {  	_ =	shalt  }
0x85: {  	_ =	shalt  }
0x86: {  	_ =	shalt  }
0x87: {  	_ =	shalt  }
.Lfunc_end0:
.L_simem_size_0:
called_computation_lowered:
.L_overlay_start_0:
0x88: {  	s2 =	sld [smem:$0x3FD9]  }
0x89: {  	s3 =	sld [smem:$0x3FFE];
	_ =	sdelay $0x1  }
0x8a: {  	s1 =	srdreg.scid  }
0x8b: {  	s0 =	sand.u32 $0x1, s1  }
0x8c: {  	s14 =	sshll.u32 s0, $0xA;
	s2 =	sadd.s32 s3, s2  }
0x8d: {  	s2 =	sadd.s32 s2, s14  }
0x8e: {  	[smem:$0x3FC0] =	sst s2  }
0x8f: {  	_ = 	snop  }
0x90: {  	s2 =	sld [smem:$0x3FD0];
	_ =	sdelay $0x2  }
0x91: {  	s15 =	simm.s32 $0xA;
	s4 =	simm.s32 $0x10  }
0x92: {  	[smem:s4], [sflag:s15] =	dma.local [hbm:s2], $0x1  }
0x93: {  	_ =	swait.eq [sflag:s15], $0x1  }
0x94: {  	[sflag:s15] =	ssyncset.done $0x0  }
0x95: {  	[sflag:s15] =	ssyncadd.s32 $0xFFFFFFFF  }
0x96: {  	s16 =	sld [smem:$0x11];
	(tm) =	ssettm $0x1  }
0x97: {  	s17 =	sld [smem:$0x3FFB];
	_ =	sdelay $0x3  }
0x98: {  	_ =	strace s17  }
0x99: {  	s3 =	sld [smem:$0x3FFC];
	_ =	sdelay $0x3  }
0x9a: {  	_ =	strace s3  }
0x9b: {  	s3 =	sld [smem:$0x3FFD];
	_ =	sdelay $0x3  }
0x9c: {  	_ =	strace s3  }
0x9d: {  	_ =	strace $0x8FFFFFFF  }
0x9e: {  	s18 =	sld [smem:$0x3FDB];
	_ =	sdelay $0x1  }
0x9f: {  	s19 =	simm.s32 $_scs_section_size  }
0xa0: {  	s5 =	simm.s32 $_size__tile_overlayer_lowered;
	s6 =	simm.s32 $_tile_overlayer_lowered  }
0xa1: {  	s22 =	simm.s32 $0x1BFF;
	s21 =	sshll.u32 s6, $0x1;
	s3 =	sadd.s32 s19, s18  }
0xa2: {  	s7 =	simm.s32 $0x0;
	s20 =	sshll.u32 s5, $0x1;
	s5 =	sadd.s32 s21, s3  }
0xa3: {  	[timem:s7], [sflag:s22] =	dma.local [hbm:s5], s20  }
0xa4: {  	_ =	swait.ge [sflag:s22], s20  }
0xa5: {  	s4 =	ssub.s32 $0x0, s20;
	[sflag:s22] =	ssyncset.done $0x0  }
0xa6: {  	[sflag:s22] =	ssyncadd.s32 s4;
	_ =	sdelay $0x1  }
0xa7: {  	s23 =	simm.s32 $0x1B8B  }
0xa8: {  	_ =	swait.ge [sflag:s23], $0x1  }
0xa9: {  	[sflag:s23] =	ssyncset.done $0x0  }
0xaa: {  	s25 =	simm.s32 $0x1B8E;
	s24 =	sld [smem:$0x3FFE];
	[sflag:s23] =	ssyncadd.s32 $0xFFFFFFFF  }
0xab: {  	s26 =	simm.s32 $execute0_lowered;
	[smem:$0x3FD2] =	sst s25  }
0xac: {  	s5 =	sshll.u32 s26, $0x1;
	_ =	strace $0x80000046;
	[dreg:$0x1] =	wrdreg $0xFFFFFFFF  }
0xad: {  	s28 =	simm.s32 $_size_execute0_lowered;
	s3 =	sadd.s32 s3, s5;
	[dreg:$0x0] =	wrdreg $0x0  }
0xae: {  	s5 =	sshll.u32 s28, $0x1;
	[dreg:$0x2] =	wrdreg s3  }
0xaf: {  	[dreg:$0x3] =	wrdreg s5  }
0xb0: {  	[dreg:$0x4] =	wrdreg $0xC0  }
0xb1: {  	_ =	task [dreg:s7], $0x5FFFF  }
0xb2: {  	[dreg:$0x1] =	wrdreg $0xFFFFFFFF  }
0xb3: {  	[dreg:$0x0] =	wrdreg $0x60  }
0xb4: {  	[dreg:$0x2] =	wrdreg s24  }
0xb5: {  	[dreg:$0x3] =	wrdreg s16  }
0xb6: {  	[dreg:$0x4] =	wrdreg $0x32C80  }
0xb7: {  	[dreg:$0x5] =	wrdreg $0x9  }
0xb8: {  	_ =	task.clear_ibuf [dreg:s7], $0x6FFFF;
	_ =	strace $0x90000046  }
0xb9: {  	s29 =	simm.s32 $0x9;
	_ =	strace $0x80000048  }
0xba: {  	_ =	swait.ge [sflag:s29], $0x1  }
0xbb: {  	[sflag:s29] =	ssyncadd.s32 $0xFFFFFFFF  }
0xbc: {  	_ =	strace $0x90000048  }
0xbd: {  	_ =	sfence  }
0xbe: {  	s30 =	sld [smem:$0x0];
	_ =	sdelay $0x2  }
0xbf: {  	s31 =	sshll.u32 s1, $0xD;
	s1 =	sshrl.u32 s1, $0x2  }
0xc0: {  	s3 =	sand.u32 $0x4000, s31;
	s1 =	sadd.s32 s1, s30  }
0xc1: {  	s0 =	sor.u32 s3, s0;
	s1 =	sshll.u32 s1, $0x11  }
0xc2: {  	s0 =	sor.u32 s1, s0  }
0xc3: {  	s0 =	sadd.s32 $0x8F2B, s0  }
0xc4: {  	[sflag:s0] =	ssyncadd.remote.s32 $0x1  }
0xc5: {  	_ =	sfence.sel $0xFFFF  }
0xc6: {  	[dreg:$0x0] =	wrdreg $0xFFFFFFFF;
	(pc) =	sbr.abs _section_cstart, $3  }
0xc7: {  	[dreg:$0x1] =	wrdreg $0xFFFFFFFF  }
0xc8: {  	_ =	task.clear_ibuf [dreg:s7], $0x2FFFF;
	_ =	strace $0x9FFFFFFF  }
0xc9: {  	(tm) =	ssettm $0x7FFFFFFF  }
tec
execute0_lowered:
.L_overlay_start_1:
0x0: {  	(tag) =	ssettag $0x1  }
0x1: {  	s9 =	rddreg [dreg:$0x0]  }
0x2: {  	s16 =	rddreg [dreg:$0x1];
	s1 =	srdreg.scid  }
0x3: {  	s0 =	stileid.u32;
	s2 =	rddreg [dreg:$0x2]  }
0x4: {  	s3 =	simm.s32 $0x0;
	s17 =	sand.u32 $0x1, s1;
	s1 =	rddreg [dreg:$0x3]  }
0x5: {  	s4 =	smul.u32 $0x13C0, s0;
	[smem:$0x7FF] =	sst s3  }
0x6: {  	s30 =	sshll.u32 s0, $0x6;
	s5 =	sshll.u32 s17, $0x4;
	_ =	strace $0x80000047  }
0x7: {  	s5 =	sor.u32 s0, s5;
	s18 =	sshrl.u32 s4, $0x3;
	s6 =	sadd.s32 s4, s2  }
0x8: {  	s8 =	smul.u32 $0x271, s5;
	s29 =	sadd.s32 s18, s9;
	s5 =	sor.u32 $0x1C02, s30  }
0x9: {  	s7 =	sshrl.u32 s6, $0x3;
	s6 =	simm.s32 $0x2;
	s4 =	sadd.s32 $0xBA00, s29  }
0xa: {  	[spmem:s7], [sflag:s5] =	dma.local [hbm:s4], $0x278  }
0xb: {  	_ =	swait.ge [sflag:s6], $0x278  }
0xc: {  	s8 =	sadd.s32 s8, s9;
	[sflag:s6] =	ssyncset.done $0x0  }
0xd: {  	s8 =	sadd.s32 $0x6600, s8;
	[sflag:s6] =	ssyncadd.s32 $0xFFFFFD88  }
0xe: {  	[tilespmem:s3], [sflag:$0x2] =	stream.linear.gather [hbm4b:s8+s3], $0x1388, $0x38;
	[tilespmem:$0x4688] =	vst v63  }
0xf: {  	_ =	swait.ge [sflag:s6], $0x1388  }
0x10: {  	[sflag:s6] =	ssyncset.done $0x0  }
0x11: {  	s10 =	simm.s32 $0x1388;
	s9 =	sadd.s32 $0xB600, s9;
	[sflag:s6] =	ssyncadd.s32 $0xFFFFEC78  }
0x12: {  	[tilespmem:s10], [sflag:$0x2] =	stream.linear.gather [hbm4b:s9+s3], $0x1F40, $0x38;
	[tilespmem:$0x4688] =	vst v63  }
0x13: {  	_ =	swait.ge [sflag:s6], $0x1F40  }
0x14: {  	[sflag:s6] =	ssyncset.done $0x0  }
0x15: {  	[sflag:s6] =	ssyncadd.s32 $0xFFFFE0C0  }
0x16: {  	s11 =	simm.s32 $0x3E8;
	[bflag:$0x0] =	sbarrier.arrive $0xFFFF  }
0x17: {  	[spmem:s2] =	stream.indirect.scatter.add.f32 [tilespmem:s10], [sflag:$0x1], $0x8, s3, s11, $0xb8;
	[tilespmem:$0x4688] =	vst v63  }
0x18: {  	_ = 	snop  }
0x19: {  	[spmem:s2] =	stream.indirect.scatter.add.f32 [tilespmem:s10], [sflag:$0x1], $0x8, s11, s11, $0xb8;
	[tilespmem:$0x4688] =	vst v63  }
0x1a: {  	s12 =	simm.s32 $0x7D0  }
0x1b: {  	[spmem:s2] =	stream.indirect.scatter.add.f32 [tilespmem:s10], [sflag:$0x1], $0x8, s12, s11, $0xb8;
	[tilespmem:$0x4688] =	vst v63  }
0x1c: {  	s13 =	simm.s32 $0xBB8  }
0x1d: {  	[spmem:s2] =	stream.indirect.scatter.add.f32 [tilespmem:s10], [sflag:$0x1], $0x8, s13, s11, $0xb8;
	[tilespmem:$0x4688] =	vst v63  }
0x1e: {  	s14 =	simm.s32 $0xFA0;
	s15 =	simm.s32 $0x1  }
0x1f: {  	[spmem:s2] =	stream.indirect.scatter.add.f32 [tilespmem:s10], [sflag:$0x1], $0x8, s14, s11, $0xb8;
	[tilespmem:$0x4688] =	vst v63  }
0x20: {  	_ =	swait.ge [sflag:s15], $0x1F40  }
0x21: {  	[sflag:s15] =	ssyncset.done $0x0  }
0x22: {  	[sflag:s15] =	ssyncadd.s32 $0xFFFFE0C0  }
0x23: {  	_ =	swait.ge [sflag:s15], $0x1F40  }
0x24: {  	[sflag:s15] =	ssyncset.done $0x0  }
0x25: {  	[sflag:s15] =	ssyncadd.s32 $0xFFFFE0C0  }
0x26: {  	_ =	swait.ge [sflag:s15], $0x1F40  }
0x27: {  	[sflag:s15] =	ssyncset.done $0x0  }
0x28: {  	[sflag:s15] =	ssyncadd.s32 $0xFFFFE0C0  }
0x29: {  	s19 =	ssub.s32 $0x2, s17;
	_ =	swait.ge [sflag:s15], $0x1F40  }
0x2a: {  	s20 =	sshrl.u32 s19, $0x1;
	[sflag:s15] =	ssyncset.done $0x0  }
0x2b: {  	s19 =	ssub.s32 s19, s20;
	[sflag:s15] =	ssyncadd.s32 $0xFFFFE0C0  }
0x2c: {  	s17 =	smul.u32 $0x2780, s17;
	s31 =	smax.u32 s19, $0x1;
	_ =	swait.ge [sflag:s15], $0x1F40  }
0x2d: {  	p0 =	sne.s32 s31, $0x1;
	[sflag:s15] =	ssyncset.done $0x0  }
.Ltmp0:
0x2e: {  	s16 =	sadd.s32 s16, s17;
	[sflag:s15] =	ssyncadd.s32 $0xFFFFE0C0;
	(pc) =	sbr.rel @!p0 .LBB2_2-.Ltmp0, $4  }
0x2f: {  	s16 =	sadd.s32 s18, s16;
	[bflag:$0x0] =	sbarrier.arrive $0xFFFF  }
0x30: {  	[hbm:s16], [sflag:s5] =	dma.local [spmem:s7], $0x278  }
0x31: {  	_ =	swait.ge [sflag:s6], $0x278  }
0x32: {  	s17 =	sadd.s32 $0xFFFFFFFF, s31;
	[sflag:s6] =	ssyncset.done $0x0  }
.LBB2_1:
0x33: {  	p0 =	sne.s32 s17, $0x1;
	s17 =	sadd.s32 $0xFFFFFFFF, s17;
	[sflag:s6] =	ssyncadd.s32 $0xFFFFFD88  }
0x34: {  	[spmem:s7], [sflag:s5] =	dma.local [hbm:s4], $0x278  }
0x35: {  	_ =	swait.ge [sflag:s6], $0x278  }
0x36: {  	[sflag:s6] =	ssyncset.done $0x0  }
0x37: {  	[sflag:s6] =	ssyncadd.s32 $0xFFFFFD88  }
0x38: {  	[tilespmem:s3], [sflag:$0x2] =	stream.linear.gather [hbm4b:s8+s3], $0x1388, $0x38;
	[tilespmem:$0x4688] =	vst v63  }
0x39: {  	_ =	swait.ge [sflag:s6], $0x1388  }
0x3a: {  	[sflag:s6] =	ssyncset.done $0x0  }
0x3b: {  	[sflag:s6] =	ssyncadd.s32 $0xFFFFEC78  }
0x3c: {  	[tilespmem:s10], [sflag:$0x2] =	stream.linear.gather [hbm4b:s9+s3], $0x1F40, $0x38;
	[tilespmem:$0x4688] =	vst v63  }
0x3d: {  	_ =	swait.ge [sflag:s6], $0x1F40  }
0x3e: {  	[sflag:s6] =	ssyncset.done $0x0  }
0x3f: {  	[sflag:s6] =	ssyncadd.s32 $0xFFFFE0C0  }
0x40: {  	[bflag:$0x0] =	sbarrier.arrive $0xFFFF  }
0x41: {  	[spmem:s2] =	stream.indirect.scatter.add.f32 [tilespmem:s10], [sflag:$0x1], $0x8, s3, s11, $0xb8;
	[tilespmem:$0x4688] =	vst v63  }
0x42: {  	_ = 	snop  }
0x43: {  	[spmem:s2] =	stream.indirect.scatter.add.f32 [tilespmem:s10], [sflag:$0x1], $0x8, s11, s11, $0xb8;
	[tilespmem:$0x4688] =	vst v63  }
0x44: {  	_ = 	snop  }
0x45: {  	[spmem:s2] =	stream.indirect.scatter.add.f32 [tilespmem:s10], [sflag:$0x1], $0x8, s12, s11, $0xb8;
	[tilespmem:$0x4688] =	vst v63  }
0x46: {  	_ = 	snop  }
0x47: {  	[spmem:s2] =	stream.indirect.scatter.add.f32 [tilespmem:s10], [sflag:$0x1], $0x8, s13, s11, $0xb8;
	[tilespmem:$0x4688] =	vst v63  }
0x48: {  	_ = 	snop  }
0x49: {  	[spmem:s2] =	stream.indirect.scatter.add.f32 [tilespmem:s10], [sflag:$0x1], $0x8, s14, s11, $0xb8;
	[tilespmem:$0x4688] =	vst v63  }
0x4a: {  	_ =	swait.ge [sflag:s15], $0x1F40  }
0x4b: {  	[sflag:s15] =	ssyncset.done $0x0  }
0x4c: {  	[sflag:s15] =	ssyncadd.s32 $0xFFFFE0C0  }
0x4d: {  	_ =	swait.ge [sflag:s15], $0x1F40  }
0x4e: {  	[sflag:s15] =	ssyncset.done $0x0  }
0x4f: {  	[sflag:s15] =	ssyncadd.s32 $0xFFFFE0C0  }
0x50: {  	_ =	swait.ge [sflag:s15], $0x1F40  }
0x51: {  	[sflag:s15] =	ssyncset.done $0x0  }
0x52: {  	[sflag:s15] =	ssyncadd.s32 $0xFFFFE0C0  }
0x53: {  	_ =	swait.ge [sflag:s15], $0x1F40  }
0x54: {  	[sflag:s15] =	ssyncset.done $0x0  }
0x55: {  	[sflag:s15] =	ssyncadd.s32 $0xFFFFE0C0  }
0x56: {  	_ =	swait.ge [sflag:s15], $0x1F40  }
0x57: {  	[sflag:s15] =	ssyncset.done $0x0  }
.Ltmp1:
0x58: {  	[sflag:s15] =	ssyncadd.s32 $0xFFFFE0C0;
	(pc) =	sbr.rel @p0 .LBB2_1-.Ltmp1, $4  }
0x59: {  	[bflag:$0x0] =	sbarrier.arrive $0xFFFF  }
0x5a: {  	[hbm:s16], [sflag:s5] =	dma.local [spmem:s7], $0x278  }
0x5b: {  	_ =	swait.ge [sflag:s6], $0x278  }
0x5c: {  	[sflag:s6] =	ssyncset.done $0x0  }
.LBB2_2:
0x5d: {  	[sflag:s6] =	ssyncadd.s32 $0xFFFFFD88  }
0x5e: {  	_ =	sfence.sel $0x180000  }
0x5f: {  	[bflag:$0x0] =	sbarrier.arrive $0xFFFF  }
0x60: {  	p0 =	sne.s32 s0, $0x0;
	_ =	strace $0x90000047  }
0x61: {  	s0 =	sadd.s32 @!p0 $0x100000, s1;
	[bflag:$0x2] =	sbarrier.arrive $0xFFFF  }
0x62: {  	[sflag:s0] =	ssyncadd.tile.s32 @!p0 $0x1;
	_ =	shalt  }
.Lfunc_end2:
_tile_overlayer_lowered:
.L_overlay_start_2:
0x63: {  	(tag) =	ssettag $0x2  }
0x64: {  	s0 =	rddreg [dreg:$0x0];
	s2 =	stileid.u32  }
0x65: {  	s1 =	rddreg [dreg:$0x1];
	p0 =	sne.s32 s2, $0x0  }
0x66: {  	s3 =	rddreg [dreg:$0x2];
	[bflag:$0x3] =	sbarrier.arrive $0xFFFF;
	s2 =	simm.s32 @!p0 $0x1C02  }
0x67: {  	[timem:s3], [sflag:s2] =	dma.local @!p0 [hbm:s0], s1  }
0x68: {  	s0 =	simm.s32 @!p0 $0x2  }
0x69: {  	_ =	swait.ge @!p0 [sflag:s0], s1  }
0x6a: {  	s1 =	ssub.s32 @!p0 $0x0, s1;
	[sflag:s0] =	ssyncset.done @!p0 $0x0  }
0x6b: {  	[sflag:s0] =	ssyncadd.s32 @!p0 s1  }
0x6c: {  	[bflag:$0x3] =	sbarrier.arrive $0xFFFF  }
0x6d: {  	_ =	shalt  }

</sc_bundles>
